<compile_context>
chip_gen: v7x
topology: tpu7x:2x2x1
jax: 0.10.2.dev20260603
libtpu: 0.0.44.dev20260713+nightly
codegen_flags: <defaults>
</compile_context>

<pallas_src>
import functools

import jax
import jax.numpy as jnp
from jax import lax
from jax.experimental import pallas as pl
from jax.experimental.pallas import tpu as pltpu
from jax.experimental.pallas import tpu_sc as plsc

VOCAB = 100000
EMBED = 128
BATCH = 1024
HIST = 200
TOTAL = BATCH * HIST

NC = 2
NS = 16
NW = NC * NS
B_PER_W = TOTAL // NW
CHUNK = 128
N_GROUPS = B_PER_W // CHUNK
DEPTH = 7
LOOKAHEAD = 5

_mesh = plsc.VectorSubcoreMesh(core_axis_name="c", subcore_axis_name="s")


@functools.partial(
    pl.kernel,
    mesh=_mesh,
    out_type=jax.ShapeDtypeStruct((TOTAL, EMBED), jnp.float32),
    scratch_types=(
        [pltpu.VMEM((N_GROUPS, CHUNK), jnp.int32)]
        + [pltpu.VMEM((CHUNK, EMBED), jnp.float32)] * DEPTH
        + [pltpu.SemaphoreType.DMA] * (2 * DEPTH)
    ),
)
def _gather_kernel(idx_hbm, table_hbm, out_hbm, idx_v, *bufs_and_sems):
    bufs = bufs_and_sems[:DEPTH]
    sg = bufs_and_sems[DEPTH:2 * DEPTH]
    so = bufs_and_sems[2 * DEPTH:]

    wid = lax.axis_index("c") * NS + lax.axis_index("s")
    base = wid * B_PER_W

    pltpu.sync_copy(idx_hbm.at[wid], idx_v)

    def fire_gather(g, r):
        pltpu.async_copy(table_hbm.at[idx_v.at[g]], bufs[r], sg[r])

    def out_slc(g):
        return out_hbm.at[pl.ds(base + g * CHUNK, CHUNK)]

    def step(g, r):
        ra = (r + LOOKAHEAD) % DEPTH

        @pl.when(g >= DEPTH - LOOKAHEAD)
        def _():
            pltpu.make_async_copy(bufs[ra], out_slc(0), so[ra]).wait()

        @pl.when(g < N_GROUPS - LOOKAHEAD)
        def _():
            fire_gather(g + LOOKAHEAD, ra)

        pltpu.make_async_copy(table_hbm.at[pl.ds(0, CHUNK)],
                              bufs[r], sg[r]).wait()
        pltpu.async_copy(bufs[r], out_slc(g), so[r])

    for g in range(LOOKAHEAD):
        fire_gather(g, g)

    def body(g, carry):
        for r in range(DEPTH):
            @pl.when(g % DEPTH == r)
            def _(r=r):
                step(g, r)
        return carry

    lax.fori_loop(0, N_GROUPS, body, 0)

    for g in range(N_GROUPS - (DEPTH - LOOKAHEAD), N_GROUPS):
        r = g % DEPTH
        pltpu.make_async_copy(bufs[r], out_slc(0), so[r]).wait()


def kernel(input, table):
    idx = input.reshape(TOTAL).astype(jnp.int32)
    out = _gather_kernel(idx.reshape(NW, N_GROUPS, CHUNK), table)
    return out.reshape(BATCH, HIST, EMBED)

# --- scband reference (transcript-rebuilt; emitter-appended) ---
"""Pipeline reference for scband-model-embeddings-69501160783921 (READ-ONLY COPY).

The authoritative reference and input builder live on the scoring server;
editing this copy changes nothing except your own understanding.
"""

import jax, jax.numpy as jnp
import numpy as np

VOCAB = 100000
EMBED = 128
BATCH = 1024
HIST = 200
PAD_IDX = 0

def setup_inputs(seed: int = 0) -> dict:
    key = jax.random.key(seed)
    k1, k2 = jax.random.split(key)
    idx = jax.random.randint(k1, (BATCH, HIST), 0, VOCAB, dtype=jnp.int64 if jax.config.read('jax_enable_x64') else jnp.int32)
    table = jax.random.normal(k2, (VOCAB, EMBED), dtype=jnp.float32)
    # padding_idx=0: torch initializes that row to zeros
    table = table.at[PAD_IDX].set(0.0)
    return {"input": idx, "table": table}

def reference(input, table):
    # nn.Embedding(num_embeddings=VOCAB, embedding_dim=EMBED, padding_idx=0) lookup
    out = jnp.take(table, input, axis=0)
    return out

if __name__ == "__main__":
    import jax
    _d = setup_inputs()
    print(jax.jit(kernel)(*tuple(_d.values())))

</pallas_src>

<mosaic_0001>
#map = affine_map<(d0, d1) -> (0, 0, 0)>
#map1 = affine_map<(d0, d1) -> (0, 0)>
module attributes {stable_mosaic.version = 14 : i64} {
  func.func @_gather_kernel(%arg0: i32, %arg1: i32, %arg2: memref<32x50x128xi32, #tpu.memory_space<hbm>>, %arg3: memref<100000x128xf32, #tpu.memory_space<hbm>>, %arg4: memref<204800x128xf32, #tpu.memory_space<hbm>>, %arg5: memref<50x128xi32, #tpu.memory_space<vmem>>, %arg6: memref<128x128xf32, #tpu.memory_space<vmem>>, %arg7: memref<128x128xf32, #tpu.memory_space<vmem>>, %arg8: memref<128x128xf32, #tpu.memory_space<vmem>>, %arg9: memref<128x128xf32, #tpu.memory_space<vmem>>, %arg10: memref<128x128xf32, #tpu.memory_space<vmem>>, %arg11: memref<128x128xf32, #tpu.memory_space<vmem>>, %arg12: memref<128x128xf32, #tpu.memory_space<vmem>>, %arg13: memref<!tpu.dma_semaphore, #tpu.memory_space<semaphore_mem>>, %arg14: memref<!tpu.dma_semaphore, #tpu.memory_space<semaphore_mem>>, %arg15: memref<!tpu.dma_semaphore, #tpu.memory_space<semaphore_mem>>, %arg16: memref<!tpu.dma_semaphore, #tpu.memory_space<semaphore_mem>>, %arg17: memref<!tpu.dma_semaphore, #tpu.memory_space<semaphore_mem>>, %arg18: memref<!tpu.dma_semaphore, #tpu.memory_space<semaphore_mem>>, %arg19: memref<!tpu.dma_semaphore, #tpu.memory_space<semaphore_mem>>, %arg20: memref<!tpu.dma_semaphore, #tpu.memory_space<semaphore_mem>>, %arg21: memref<!tpu.dma_semaphore, #tpu.memory_space<semaphore_mem>>, %arg22: memref<!tpu.dma_semaphore, #tpu.memory_space<semaphore_mem>>, %arg23: memref<!tpu.dma_semaphore, #tpu.memory_space<semaphore_mem>>, %arg24: memref<!tpu.dma_semaphore, #tpu.memory_space<semaphore_mem>>, %arg25: memref<!tpu.dma_semaphore, #tpu.memory_space<semaphore_mem>>, %arg26: memref<!tpu.dma_semaphore, #tpu.memory_space<semaphore_mem>>) attributes {dimension_semantics = [#tpu.dimension_semantics<core_parallel>, #tpu.dimension_semantics<subcore_parallel>], iteration_bounds = array<i64: 2, 16>, scalar_prefetch = 0 : i64, scratch_operands = 22 : i64, tpu.core_type = #tpu.core_type<sc_vector_subcore>, window_params = [{transform_indices = #map}, {transform_indices = #map1}, {transform_indices = #map1}]} {
    %mul3A = arith.constant 16 : i32
    %mul3A_0 = arith.muli %arg0, %mul3A : i32
    %add3A = arith.addi %mul3A_0, %arg1 : i32
    %mul3A_1 = arith.constant 6400 : i32
    %mul3A_2 = arith.muli %add3A, %mul3A_1 : i32
    "tpu.region"() ({
      %run_scoped3A = tpu.sem_alloc : memref<!tpu.dma_semaphore, #tpu.memory_space<semaphore_mem>>
      %dma_start3A_53 = arith.constant 0 : i32
      %dma_start3A_54 = arith.constant 0 : i32
      %dma_start3A_55 = tpu.memref_slice %arg2[%add3A, %dma_start3A_53, %dma_start3A_54] : memref<32x50x128xi32, #tpu.memory_space<hbm>> -> memref<1x50x128xi32, #tpu.memory_space<hbm>>
      %dma_start3A_56 = tpu.memref_squeeze %dma_start3A_55 : memref<1x50x128xi32, #tpu.memory_space<hbm>> -> memref<50x128xi32, #tpu.memory_space<hbm>>
      %dma_start3A_57 = arith.constant 0 : i32
      %dma_start3A_58 = arith.constant 0 : i32
      %dma_start3A_59 = tpu.memref_slice %arg2[%add3A, %dma_start3A_57, %dma_start3A_58] : memref<32x50x128xi32, #tpu.memory_space<hbm>> -> memref<1x50x128xi32, #tpu.memory_space<hbm>>
      %dma_start3A_60 = tpu.memref_squeeze %dma_start3A_59 : memref<1x50x128xi32, #tpu.memory_space<hbm>> -> memref<50x128xi32, #tpu.memory_space<hbm>>
      tpu.enqueue_dma source(%dma_start3A_60 : memref<50x128xi32, #tpu.memory_space<hbm>>) target(%arg5 : memref<50x128xi32, #tpu.memory_space<vmem>>) target_semaphore(%run_scoped3A : memref<!tpu.dma_semaphore, #tpu.memory_space<semaphore_mem>>)
      %dma_wait3A_61 = arith.constant 0 : i32
      %dma_wait3A_62 = arith.constant 0 : i32
      %dma_wait3A_63 = tpu.memref_slice %arg2[%add3A, %dma_wait3A_61, %dma_wait3A_62] : memref<32x50x128xi32, #tpu.memory_space<hbm>> -> memref<1x50x128xi32, #tpu.memory_space<hbm>>
      %dma_wait3A_64 = tpu.memref_squeeze %dma_wait3A_63 : memref<1x50x128xi32, #tpu.memory_space<hbm>> -> memref<50x128xi32, #tpu.memory_space<hbm>>
      %dma_wait3A_65 = arith.constant 0 : i32
      %dma_wait3A_66 = arith.constant 0 : i32
      %dma_wait3A_67 = tpu.memref_slice %arg2[%add3A, %dma_wait3A_65, %dma_wait3A_66] : memref<32x50x128xi32, #tpu.memory_space<hbm>> -> memref<1x50x128xi32, #tpu.memory_space<hbm>>
      %dma_wait3A_68 = tpu.memref_squeeze %dma_wait3A_67 : memref<1x50x128xi32, #tpu.memory_space<hbm>> -> memref<50x128xi32, #tpu.memory_space<hbm>>
      tpu.wait_dma2 semaphore(%run_scoped3A : memref<!tpu.dma_semaphore, #tpu.memory_space<semaphore_mem>>) src(%dma_wait3A_68 : memref<50x128xi32, #tpu.memory_space<hbm>>) dst(%arg5 : memref<50x128xi32, #tpu.memory_space<vmem>>)
      tpu.yield
    }) : () -> ()
    %dma_start3A = arith.constant 0 : i32
    %dma_start3A_3 = arith.constant 0 : i32
    %dma_start3A_4 = tpu.memref_slice %arg5[%dma_start3A, %dma_start3A_3] : memref<50x128xi32, #tpu.memory_space<vmem>> -> memref<1x128xi32, #tpu.memory_space<vmem>>
    %dma_start3A_5 = tpu.memref_squeeze %dma_start3A_4 : memref<1x128xi32, #tpu.memory_space<vmem>> -> memref<128xi32, #tpu.memory_space<vmem>>
    %dma_start3A_6 = arith.constant 0 : i32
    %dma_start3A_7 = arith.constant 0 : i32
    %dma_start3A_8 = tpu.memref_slice %arg3[%dma_start3A_6, %dma_start3A_7] : memref<100000x128xf32, #tpu.memory_space<hbm>> -> memref<100000x128xf32, #tpu.memory_space<hbm>>
    tpu.enqueue_indirect_dma source(%dma_start3A_8 : memref<100000x128xf32, #tpu.memory_space<hbm>>) target(%arg6 : memref<128x128xf32, #tpu.memory_space<vmem>>) offsets(%dma_start3A_5 : memref<128xi32, #tpu.memory_space<vmem>>) semaphore(%arg13 : memref<!tpu.dma_semaphore, #tpu.memory_space<semaphore_mem>>)
    %dma_start3A_9 = arith.constant 1 : i32
    %dma_start3A_10 = arith.constant 0 : i32
    %dma_start3A_11 = tpu.memref_slice %arg5[%dma_start3A_9, %dma_start3A_10] : memref<50x128xi32, #tpu.memory_space<vmem>> -> memref<1x128xi32, #tpu.memory_space<vmem>>
    %dma_start3A_12 = tpu.memref_squeeze %dma_start3A_11 : memref<1x128xi32, #tpu.memory_space<vmem>> -> memref<128xi32, #tpu.memory_space<vmem>>
    %dma_start3A_13 = arith.constant 0 : i32
    %dma_start3A_14 = arith.constant 0 : i32
    %dma_start3A_15 = tpu.memref_slice %arg3[%dma_start3A_13, %dma_start3A_14] : memref<100000x128xf32, #tpu.memory_space<hbm>> -> memref<100000x128xf32, #tpu.memory_space<hbm>>
    tpu.enqueue_indirect_dma source(%dma_start3A_15 : memref<100000x128xf32, #tpu.memory_space<hbm>>) target(%arg7 : memref<128x128xf32, #tpu.memory_space<vmem>>) offsets(%dma_start3A_12 : memref<128xi32, #tpu.memory_space<vmem>>) semaphore(%arg14 : memref<!tpu.dma_semaphore, #tpu.memory_space<semaphore_mem>>)
    %dma_start3A_16 = arith.constant 2 : i32
    %dma_start3A_17 = arith.constant 0 : i32
    %dma_start3A_18 = tpu.memref_slice %arg5[%dma_start3A_16, %dma_start3A_17] : memref<50x128xi32, #tpu.memory_space<vmem>> -> memref<1x128xi32, #tpu.memory_space<vmem>>
    %dma_start3A_19 = tpu.memref_squeeze %dma_start3A_18 : memref<1x128xi32, #tpu.memory_space<vmem>> -> memref<128xi32, #tpu.memory_space<vmem>>
    %dma_start3A_20 = arith.constant 0 : i32
    %dma_start3A_21 = arith.constant 0 : i32
    %dma_start3A_22 = tpu.memref_slice %arg3[%dma_start3A_20, %dma_start3A_21] : memref<100000x128xf32, #tpu.memory_space<hbm>> -> memref<100000x128xf32, #tpu.memory_space<hbm>>
    tpu.enqueue_indirect_dma source(%dma_start3A_22 : memref<100000x128xf32, #tpu.memory_space<hbm>>) target(%arg8 : memref<128x128xf32, #tpu.memory_space<vmem>>) offsets(%dma_start3A_19 : memref<128xi32, #tpu.memory_space<vmem>>) semaphore(%arg15 : memref<!tpu.dma_semaphore, #tpu.memory_space<semaphore_mem>>)
    %dma_start3A_23 = arith.constant 3 : i32
    %dma_start3A_24 = arith.constant 0 : i32
    %dma_start3A_25 = tpu.memref_slice %arg5[%dma_start3A_23, %dma_start3A_24] : memref<50x128xi32, #tpu.memory_space<vmem>> -> memref<1x128xi32, #tpu.memory_space<vmem>>
    %dma_start3A_26 = tpu.memref_squeeze %dma_start3A_25 : memref<1x128xi32, #tpu.memory_space<vmem>> -> memref<128xi32, #tpu.memory_space<vmem>>
    %dma_start3A_27 = arith.constant 0 : i32
    %dma_start3A_28 = arith.constant 0 : i32
    %dma_start3A_29 = tpu.memref_slice %arg3[%dma_start3A_27, %dma_start3A_28] : memref<100000x128xf32, #tpu.memory_space<hbm>> -> memref<100000x128xf32, #tpu.memory_space<hbm>>
    tpu.enqueue_indirect_dma source(%dma_start3A_29 : memref<100000x128xf32, #tpu.memory_space<hbm>>) target(%arg9 : memref<128x128xf32, #tpu.memory_space<vmem>>) offsets(%dma_start3A_26 : memref<128xi32, #tpu.memory_space<vmem>>) semaphore(%arg16 : memref<!tpu.dma_semaphore, #tpu.memory_space<semaphore_mem>>)
    %dma_start3A_30 = arith.constant 4 : i32
    %dma_start3A_31 = arith.constant 0 : i32
    %dma_start3A_32 = tpu.memref_slice %arg5[%dma_start3A_30, %dma_start3A_31] : memref<50x128xi32, #tpu.memory_space<vmem>> -> memref<1x128xi32, #tpu.memory_space<vmem>>
    %dma_start3A_33 = tpu.memref_squeeze %dma_start3A_32 : memref<1x128xi32, #tpu.memory_space<vmem>> -> memref<128xi32, #tpu.memory_space<vmem>>
    %dma_start3A_34 = arith.constant 0 : i32
    %dma_start3A_35 = arith.constant 0 : i32
    %dma_start3A_36 = tpu.memref_slice %arg3[%dma_start3A_34, %dma_start3A_35] : memref<100000x128xf32, #tpu.memory_space<hbm>> -> memref<100000x128xf32, #tpu.memory_space<hbm>>
    tpu.enqueue_indirect_dma source(%dma_start3A_36 : memref<100000x128xf32, #tpu.memory_space<hbm>>) target(%arg10 : memref<128x128xf32, #tpu.memory_space<vmem>>) offsets(%dma_start3A_33 : memref<128xi32, #tpu.memory_space<vmem>>) semaphore(%arg17 : memref<!tpu.dma_semaphore, #tpu.memory_space<semaphore_mem>>)
    %scan3A = arith.constant 0 : i32
    %scan3A_37 = arith.constant 0 : i32
    %scan3A_38 = arith.constant 50 : i32
    %scan3A_39 = arith.addi %scan3A_37, %scan3A_38 : i32
    %scan3A_40 = arith.constant 1 : i32
    scf.for %scan3A_53 = %scan3A_37 to %scan3A_39 step %scan3A_40  : i32 {
      %jit3A = arith.constant 7 : i32
      %eq3A = arith.constant 0 : i32
      %eq3A_54 = arith.cmpi eq, %jit3A, %eq3A : i32
      %jit3A_55 = arith.constant 1 : i32
      %select_n3A = arith.select %eq3A_54, %jit3A_55, %jit3A : i32
      %rem3A = arith.remsi %scan3A_53, %select_n3A : i32
      %ne3A = arith.constant 0 : i32
      %ne3A_56 = arith.cmpi ne, %rem3A, %ne3A : i32
      %lt3A = arith.constant 0 : i32
      %lt3A_57 = arith.cmpi slt, %rem3A, %lt3A : i32
      %lt3A_58 = arith.constant 0 : i32
      %lt3A_59 = arith.cmpi slt, %select_n3A, %lt3A_58 : i32
      %ne3A_60 = arith.xori %lt3A_57, %lt3A_59 : i1
      %and3A = arith.andi %ne3A_60, %ne3A_56 : i1
      %add3A_61 = arith.addi %rem3A, %select_n3A : i32
      %select_n3A_62 = arith.select %and3A, %add3A_61, %rem3A : i32
      %eq3A_63 = arith.constant 0 : i32
      %eq3A_64 = arith.cmpi eq, %select_n3A_62, %eq3A_63 : i32
      %convert_element_type3A = arith.extui %eq3A_64 : i1 to i32
      %cond3A = arith.constant 0 : i32
      %cond3A_65 = arith.cmpi ne, %convert_element_type3A, %cond3A : i32
      scf.if %cond3A_65 {
        %ge3A = arith.constant 2 : i32
        %ge3A_192 = arith.cmpi sge, %scan3A_53, %ge3A : i32
        %convert_element_type3A_193 = arith.extui %ge3A_192 : i1 to i32
        %cond3A_194 = arith.constant 0 : i32
        %cond3A_195 = arith.cmpi ne, %convert_element_type3A_193, %cond3A_194 : i32
        scf.if %cond3A_195 {
          %add3A_214 = arith.constant 0 : i32
          %add3A_215 = arith.addi %mul3A_2, %add3A_214 : i32
          %dma_wait3A_216 = arith.constant 0 : i32
          %dma_wait3A_217 = tpu.memref_slice %arg4[%add3A_215, %dma_wait3A_216] : memref<204800x128xf32, #tpu.memory_space<hbm>> -> memref<128x128xf32, #tpu.memory_space<hbm>>
          %dma_wait3A_218 = arith.constant 0 : i32
          %dma_wait3A_219 = tpu.memref_slice %arg4[%add3A_215, %dma_wait3A_218] : memref<204800x128xf32, #tpu.memory_space<hbm>> -> memref<128x128xf32, #tpu.memory_space<hbm>>
          tpu.wait_dma2 semaphore(%arg25 : memref<!tpu.dma_semaphore, #tpu.memory_space<semaphore_mem>>) src(%arg11 : memref<128x128xf32, #tpu.memory_space<vmem>>) dst(%dma_wait3A_219 : memref<128x128xf32, #tpu.memory_space<hbm>>)
        } else {
        }
        %lt3A_196 = arith.constant 45 : i32
        %lt3A_197 = arith.cmpi slt, %scan3A_53, %lt3A_196 : i32
        %convert_element_type3A_198 = arith.extui %lt3A_197 : i1 to i32
        %cond3A_199 = arith.constant 0 : i32
        %cond3A_200 = arith.cmpi ne, %convert_element_type3A_198, %cond3A_199 : i32
        scf.if %cond3A_200 {
          %add3A_214 = arith.constant 5 : i32
          %add3A_215 = arith.addi %scan3A_53, %add3A_214 : i32
          %dma_start3A_216 = arith.constant 0 : i32
          %dma_start3A_217 = tpu.memref_slice %arg5[%add3A_215, %dma_start3A_216] : memref<50x128xi32, #tpu.memory_space<vmem>> -> memref<1x128xi32, #tpu.memory_space<vmem>>
          %dma_start3A_218 = tpu.memref_squeeze %dma_start3A_217 : memref<1x128xi32, #tpu.memory_space<vmem>> -> memref<128xi32, #tpu.memory_space<vmem>>
          %dma_start3A_219 = arith.constant 0 : i32
          %dma_start3A_220 = arith.constant 0 : i32
          %dma_start3A_221 = tpu.memref_slice %arg3[%dma_start3A_219, %dma_start3A_220] : memref<100000x128xf32, #tpu.memory_space<hbm>> -> memref<100000x128xf32, #tpu.memory_space<hbm>>
          tpu.enqueue_indirect_dma source(%dma_start3A_221 : memref<100000x128xf32, #tpu.memory_space<hbm>>) target(%arg11 : memref<128x128xf32, #tpu.memory_space<vmem>>) offsets(%dma_start3A_218 : memref<128xi32, #tpu.memory_space<vmem>>) semaphore(%arg18 : memref<!tpu.dma_semaphore, #tpu.memory_space<semaphore_mem>>)
        } else {
        }
        %dma_wait3A_201 = arith.constant 0 : i32
        %dma_wait3A_202 = arith.constant 0 : i32
        %dma_wait3A_203 = tpu.memref_slice %arg3[%dma_wait3A_201, %dma_wait3A_202] : memref<100000x128xf32, #tpu.memory_space<hbm>> -> memref<128x128xf32, #tpu.memory_space<hbm>>
        %dma_wait3A_204 = arith.constant 0 : i32
        %dma_wait3A_205 = arith.constant 0 : i32
        %dma_wait3A_206 = tpu.memref_slice %arg3[%dma_wait3A_204, %dma_wait3A_205] : memref<100000x128xf32, #tpu.memory_space<hbm>> -> memref<128x128xf32, #tpu.memory_space<hbm>>
        tpu.wait_dma2 semaphore(%arg13 : memref<!tpu.dma_semaphore, #tpu.memory_space<semaphore_mem>>) src(%dma_wait3A_206 : memref<128x128xf32, #tpu.memory_space<hbm>>) dst(%arg6 : memref<128x128xf32, #tpu.memory_space<vmem>>)
        %mul3A_207 = arith.constant 128 : i32
        %mul3A_208 = arith.muli %scan3A_53, %mul3A_207 : i32
        %add3A_209 = arith.addi %mul3A_2, %mul3A_208 : i32
        %dma_start3A_210 = arith.constant 0 : i32
        %dma_start3A_211 = tpu.memref_slice %arg4[%add3A_209, %dma_start3A_210] : memref<204800x128xf32, #tpu.memory_space<hbm>> -> memref<128x128xf32, #tpu.memory_space<hbm>>
        %dma_start3A_212 = arith.constant 0 : i32
        %dma_start3A_213 = tpu.memref_slice %arg4[%add3A_209, %dma_start3A_212] : memref<204800x128xf32, #tpu.memory_space<hbm>> -> memref<128x128xf32, #tpu.memory_space<hbm>>
        tpu.enqueue_dma source(%arg6 : memref<128x128xf32, #tpu.memory_space<vmem>>) target(%dma_start3A_213 : memref<128x128xf32, #tpu.memory_space<hbm>>) target_semaphore(%arg20 : memref<!tpu.dma_semaphore, #tpu.memory_space<semaphore_mem>>)
      } else {
      }
      %jit3A_66 = arith.constant 7 : i32
      %eq3A_67 = arith.constant 0 : i32
      %eq3A_68 = arith.cmpi eq, %jit3A_66, %eq3A_67 : i32
      %jit3A_69 = arith.constant 1 : i32
      %select_n3A_70 = arith.select %eq3A_68, %jit3A_69, %jit3A_66 : i32
      %rem3A_71 = arith.remsi %scan3A_53, %select_n3A_70 : i32
      %ne3A_72 = arith.constant 0 : i32
      %ne3A_73 = arith.cmpi ne, %rem3A_71, %ne3A_72 : i32
      %lt3A_74 = arith.constant 0 : i32
      %lt3A_75 = arith.cmpi slt, %rem3A_71, %lt3A_74 : i32
      %lt3A_76 = arith.constant 0 : i32
      %lt3A_77 = arith.cmpi slt, %select_n3A_70, %lt3A_76 : i32
      %ne3A_78 = arith.xori %lt3A_75, %lt3A_77 : i1
      %and3A_79 = arith.andi %ne3A_78, %ne3A_73 : i1
      %add3A_80 = arith.addi %rem3A_71, %select_n3A_70 : i32
      %select_n3A_81 = arith.select %and3A_79, %add3A_80, %rem3A_71 : i32
      %eq3A_82 = arith.constant 1 : i32
      %eq3A_83 = arith.cmpi eq, %select_n3A_81, %eq3A_82 : i32
      %convert_element_type3A_84 = arith.extui %eq3A_83 : i1 to i32
      %cond3A_85 = arith.constant 0 : i32
      %cond3A_86 = arith.cmpi ne, %convert_element_type3A_84, %cond3A_85 : i32
      scf.if %cond3A_86 {
        %ge3A = arith.constant 2 : i32
        %ge3A_192 = arith.cmpi sge, %scan3A_53, %ge3A : i32
        %convert_element_type3A_193 = arith.extui %ge3A_192 : i1 to i32
        %cond3A_194 = arith.constant 0 : i32
        %cond3A_195 = arith.cmpi ne, %convert_element_type3A_193, %cond3A_194 : i32
        scf.if %cond3A_195 {
          %add3A_214 = arith.constant 0 : i32
          %add3A_215 = arith.addi %mul3A_2, %add3A_214 : i32
          %dma_wait3A_216 = arith.constant 0 : i32
          %dma_wait3A_217 = tpu.memref_slice %arg4[%add3A_215, %dma_wait3A_216] : memref<204800x128xf32, #tpu.memory_space<hbm>> -> memref<128x128xf32, #tpu.memory_space<hbm>>
          %dma_wait3A_218 = arith.constant 0 : i32
          %dma_wait3A_219 = tpu.memref_slice %arg4[%add3A_215, %dma_wait3A_218] : memref<204800x128xf32, #tpu.memory_space<hbm>> -> memref<128x128xf32, #tpu.memory_space<hbm>>
          tpu.wait_dma2 semaphore(%arg26 : memref<!tpu.dma_semaphore, #tpu.memory_space<semaphore_mem>>) src(%arg12 : memref<128x128xf32, #tpu.memory_space<vmem>>) dst(%dma_wait3A_219 : memref<128x128xf32, #tpu.memory_space<hbm>>)
        } else {
        }
        %lt3A_196 = arith.constant 45 : i32
        %lt3A_197 = arith.cmpi slt, %scan3A_53, %lt3A_196 : i32
        %convert_element_type3A_198 = arith.extui %lt3A_197 : i1 to i32
        %cond3A_199 = arith.constant 0 : i32
        %cond3A_200 = arith.cmpi ne, %convert_element_type3A_198, %cond3A_199 : i32
        scf.if %cond3A_200 {
          %add3A_214 = arith.constant 5 : i32
          %add3A_215 = arith.addi %scan3A_53, %add3A_214 : i32
          %dma_start3A_216 = arith.constant 0 : i32
          %dma_start3A_217 = tpu.memref_slice %arg5[%add3A_215, %dma_start3A_216] : memref<50x128xi32, #tpu.memory_space<vmem>> -> memref<1x128xi32, #tpu.memory_space<vmem>>
          %dma_start3A_218 = tpu.memref_squeeze %dma_start3A_217 : memref<1x128xi32, #tpu.memory_space<vmem>> -> memref<128xi32, #tpu.memory_space<vmem>>
          %dma_start3A_219 = arith.constant 0 : i32
          %dma_start3A_220 = arith.constant 0 : i32
          %dma_start3A_221 = tpu.memref_slice %arg3[%dma_start3A_219, %dma_start3A_220] : memref<100000x128xf32, #tpu.memory_space<hbm>> -> memref<100000x128xf32, #tpu.memory_space<hbm>>
          tpu.enqueue_indirect_dma source(%dma_start3A_221 : memref<100000x128xf32, #tpu.memory_space<hbm>>) target(%arg12 : memref<128x128xf32, #tpu.memory_space<vmem>>) offsets(%dma_start3A_218 : memref<128xi32, #tpu.memory_space<vmem>>) semaphore(%arg19 : memref<!tpu.dma_semaphore, #tpu.memory_space<semaphore_mem>>)
        } else {
        }
        %dma_wait3A_201 = arith.constant 0 : i32
        %dma_wait3A_202 = arith.constant 0 : i32
        %dma_wait3A_203 = tpu.memref_slice %arg3[%dma_wait3A_201, %dma_wait3A_202] : memref<100000x128xf32, #tpu.memory_space<hbm>> -> memref<128x128xf32, #tpu.memory_space<hbm>>
        %dma_wait3A_204 = arith.constant 0 : i32
        %dma_wait3A_205 = arith.constant 0 : i32
        %dma_wait3A_206 = tpu.memref_slice %arg3[%dma_wait3A_204, %dma_wait3A_205] : memref<100000x128xf32, #tpu.memory_space<hbm>> -> memref<128x128xf32, #tpu.memory_space<hbm>>
        tpu.wait_dma2 semaphore(%arg14 : memref<!tpu.dma_semaphore, #tpu.memory_space<semaphore_mem>>) src(%dma_wait3A_206 : memref<128x128xf32, #tpu.memory_space<hbm>>) dst(%arg7 : memref<128x128xf32, #tpu.memory_space<vmem>>)
        %mul3A_207 = arith.constant 128 : i32
        %mul3A_208 = arith.muli %scan3A_53, %mul3A_207 : i32
        %add3A_209 = arith.addi %mul3A_2, %mul3A_208 : i32
        %dma_start3A_210 = arith.constant 0 : i32
        %dma_start3A_211 = tpu.memref_slice %arg4[%add3A_209, %dma_start3A_210] : memref<204800x128xf32, #tpu.memory_space<hbm>> -> memref<128x128xf32, #tpu.memory_space<hbm>>
        %dma_start3A_212 = arith.constant 0 : i32
        %dma_start3A_213 = tpu.memref_slice %arg4[%add3A_209, %dma_start3A_212] : memref<204800x128xf32, #tpu.memory_space<hbm>> -> memref<128x128xf32, #tpu.memory_space<hbm>>
        tpu.enqueue_dma source(%arg7 : memref<128x128xf32, #tpu.memory_space<vmem>>) target(%dma_start3A_213 : memref<128x128xf32, #tpu.memory_space<hbm>>) target_semaphore(%arg21 : memref<!tpu.dma_semaphore, #tpu.memory_space<semaphore_mem>>)
      } else {
      }
      %jit3A_87 = arith.constant 7 : i32
      %eq3A_88 = arith.constant 0 : i32
      %eq3A_89 = arith.cmpi eq, %jit3A_87, %eq3A_88 : i32
      %jit3A_90 = arith.constant 1 : i32
      %select_n3A_91 = arith.select %eq3A_89, %jit3A_90, %jit3A_87 : i32
      %rem3A_92 = arith.remsi %scan3A_53, %select_n3A_91 : i32
      %ne3A_93 = arith.constant 0 : i32
      %ne3A_94 = arith.cmpi ne, %rem3A_92, %ne3A_93 : i32
      %lt3A_95 = arith.constant 0 : i32
      %lt3A_96 = arith.cmpi slt, %rem3A_92, %lt3A_95 : i32
      %lt3A_97 = arith.constant 0 : i32
      %lt3A_98 = arith.cmpi slt, %select_n3A_91, %lt3A_97 : i32
      %ne3A_99 = arith.xori %lt3A_96, %lt3A_98 : i1
      %and3A_100 = arith.andi %ne3A_99, %ne3A_94 : i1
      %add3A_101 = arith.addi %rem3A_92, %select_n3A_91 : i32
      %select_n3A_102 = arith.select %and3A_100, %add3A_101, %rem3A_92 : i32
      %eq3A_103 = arith.constant 2 : i32
      %eq3A_104 = arith.cmpi eq, %select_n3A_102, %eq3A_103 : i32
      %convert_element_type3A_105 = arith.extui %eq3A_104 : i1 to i32
      %cond3A_106 = arith.constant 0 : i32
      %cond3A_107 = arith.cmpi ne, %convert_element_type3A_105, %cond3A_106 : i32
      scf.if %cond3A_107 {
        %ge3A = arith.constant 2 : i32
        %ge3A_192 = arith.cmpi sge, %scan3A_53, %ge3A : i32
        %convert_element_type3A_193 = arith.extui %ge3A_192 : i1 to i32
        %cond3A_194 = arith.constant 0 : i32
        %cond3A_195 = arith.cmpi ne, %convert_element_type3A_193, %cond3A_194 : i32
        scf.if %cond3A_195 {
          %add3A_214 = arith.constant 0 : i32
          %add3A_215 = arith.addi %mul3A_2, %add3A_214 : i32
          %dma_wait3A_216 = arith.constant 0 : i32
          %dma_wait3A_217 = tpu.memref_slice %arg4[%add3A_215, %dma_wait3A_216] : memref<204800x128xf32, #tpu.memory_space<hbm>> -> memref<128x128xf32, #tpu.memory_space<hbm>>
          %dma_wait3A_218 = arith.constant 0 : i32
          %dma_wait3A_219 = tpu.memref_slice %arg4[%add3A_215, %dma_wait3A_218] : memref<204800x128xf32, #tpu.memory_space<hbm>> -> memref<128x128xf32, #tpu.memory_space<hbm>>
          tpu.wait_dma2 semaphore(%arg20 : memref<!tpu.dma_semaphore, #tpu.memory_space<semaphore_mem>>) src(%arg6 : memref<128x128xf32, #tpu.memory_space<vmem>>) dst(%dma_wait3A_219 : memref<128x128xf32, #tpu.memory_space<hbm>>)
        } else {
        }
        %lt3A_196 = arith.constant 45 : i32
        %lt3A_197 = arith.cmpi slt, %scan3A_53, %lt3A_196 : i32
        %convert_element_type3A_198 = arith.extui %lt3A_197 : i1 to i32
        %cond3A_199 = arith.constant 0 : i32
        %cond3A_200 = arith.cmpi ne, %convert_element_type3A_198, %cond3A_199 : i32
        scf.if %cond3A_200 {
          %add3A_214 = arith.constant 5 : i32
          %add3A_215 = arith.addi %scan3A_53, %add3A_214 : i32
          %dma_start3A_216 = arith.constant 0 : i32
          %dma_start3A_217 = tpu.memref_slice %arg5[%add3A_215, %dma_start3A_216] : memref<50x128xi32, #tpu.memory_space<vmem>> -> memref<1x128xi32, #tpu.memory_space<vmem>>
          %dma_start3A_218 = tpu.memref_squeeze %dma_start3A_217 : memref<1x128xi32, #tpu.memory_space<vmem>> -> memref<128xi32, #tpu.memory_space<vmem>>
          %dma_start3A_219 = arith.constant 0 : i32
          %dma_start3A_220 = arith.constant 0 : i32
          %dma_start3A_221 = tpu.memref_slice %arg3[%dma_start3A_219, %dma_start3A_220] : memref<100000x128xf32, #tpu.memory_space<hbm>> -> memref<100000x128xf32, #tpu.memory_space<hbm>>
          tpu.enqueue_indirect_dma source(%dma_start3A_221 : memref<100000x128xf32, #tpu.memory_space<hbm>>) target(%arg6 : memref<128x128xf32, #tpu.memory_space<vmem>>) offsets(%dma_start3A_218 : memref<128xi32, #tpu.memory_space<vmem>>) semaphore(%arg13 : memref<!tpu.dma_semaphore, #tpu.memory_space<semaphore_mem>>)
        } else {
        }
        %dma_wait3A_201 = arith.constant 0 : i32
        %dma_wait3A_202 = arith.constant 0 : i32
        %dma_wait3A_203 = tpu.memref_slice %arg3[%dma_wait3A_201, %dma_wait3A_202] : memref<100000x128xf32, #tpu.memory_space<hbm>> -> memref<128x128xf32, #tpu.memory_space<hbm>>
        %dma_wait3A_204 = arith.constant 0 : i32
        %dma_wait3A_205 = arith.constant 0 : i32
        %dma_wait3A_206 = tpu.memref_slice %arg3[%dma_wait3A_204, %dma_wait3A_205] : memref<100000x128xf32, #tpu.memory_space<hbm>> -> memref<128x128xf32, #tpu.memory_space<hbm>>
        tpu.wait_dma2 semaphore(%arg15 : memref<!tpu.dma_semaphore, #tpu.memory_space<semaphore_mem>>) src(%dma_wait3A_206 : memref<128x128xf32, #tpu.memory_space<hbm>>) dst(%arg8 : memref<128x128xf32, #tpu.memory_space<vmem>>)
        %mul3A_207 = arith.constant 128 : i32
        %mul3A_208 = arith.muli %scan3A_53, %mul3A_207 : i32
        %add3A_209 = arith.addi %mul3A_2, %mul3A_208 : i32
        %dma_start3A_210 = arith.constant 0 : i32
        %dma_start3A_211 = tpu.memref_slice %arg4[%add3A_209, %dma_start3A_210] : memref<204800x128xf32, #tpu.memory_space<hbm>> -> memref<128x128xf32, #tpu.memory_space<hbm>>
        %dma_start3A_212 = arith.constant 0 : i32
        %dma_start3A_213 = tpu.memref_slice %arg4[%add3A_209, %dma_start3A_212] : memref<204800x128xf32, #tpu.memory_space<hbm>> -> memref<128x128xf32, #tpu.memory_space<hbm>>
        tpu.enqueue_dma source(%arg8 : memref<128x128xf32, #tpu.memory_space<vmem>>) target(%dma_start3A_213 : memref<128x128xf32, #tpu.memory_space<hbm>>) target_semaphore(%arg22 : memref<!tpu.dma_semaphore, #tpu.memory_space<semaphore_mem>>)
      } else {
      }
      %jit3A_108 = arith.constant 7 : i32
      %eq3A_109 = arith.constant 0 : i32
      %eq3A_110 = arith.cmpi eq, %jit3A_108, %eq3A_109 : i32
      %jit3A_111 = arith.constant 1 : i32
      %select_n3A_112 = arith.select %eq3A_110, %jit3A_111, %jit3A_108 : i32
      %rem3A_113 = arith.remsi %scan3A_53, %select_n3A_112 : i32
      %ne3A_114 = arith.constant 0 : i32
      %ne3A_115 = arith.cmpi ne, %rem3A_113, %ne3A_114 : i32
      %lt3A_116 = arith.constant 0 : i32
      %lt3A_117 = arith.cmpi slt, %rem3A_113, %lt3A_116 : i32
      %lt3A_118 = arith.constant 0 : i32
      %lt3A_119 = arith.cmpi slt, %select_n3A_112, %lt3A_118 : i32
      %ne3A_120 = arith.xori %lt3A_117, %lt3A_119 : i1
      %and3A_121 = arith.andi %ne3A_120, %ne3A_115 : i1
      %add3A_122 = arith.addi %rem3A_113, %select_n3A_112 : i32
      %select_n3A_123 = arith.select %and3A_121, %add3A_122, %rem3A_113 : i32
      %eq3A_124 = arith.constant 3 : i32
      %eq3A_125 = arith.cmpi eq, %select_n3A_123, %eq3A_124 : i32
      %convert_element_type3A_126 = arith.extui %eq3A_125 : i1 to i32
      %cond3A_127 = arith.constant 0 : i32
      %cond3A_128 = arith.cmpi ne, %convert_element_type3A_126, %cond3A_127 : i32
      scf.if %cond3A_128 {
        %ge3A = arith.constant 2 : i32
        %ge3A_192 = arith.cmpi sge, %scan3A_53, %ge3A : i32
        %convert_element_type3A_193 = arith.extui %ge3A_192 : i1 to i32
        %cond3A_194 = arith.constant 0 : i32
        %cond3A_195 = arith.cmpi ne, %convert_element_type3A_193, %cond3A_194 : i32
        scf.if %cond3A_195 {
          %add3A_214 = arith.constant 0 : i32
          %add3A_215 = arith.addi %mul3A_2, %add3A_214 : i32
          %dma_wait3A_216 = arith.constant 0 : i32
          %dma_wait3A_217 = tpu.memref_slice %arg4[%add3A_215, %dma_wait3A_216] : memref<204800x128xf32, #tpu.memory_space<hbm>> -> memref<128x128xf32, #tpu.memory_space<hbm>>
          %dma_wait3A_218 = arith.constant 0 : i32
          %dma_wait3A_219 = tpu.memref_slice %arg4[%add3A_215, %dma_wait3A_218] : memref<204800x128xf32, #tpu.memory_space<hbm>> -> memref<128x128xf32, #tpu.memory_space<hbm>>
          tpu.wait_dma2 semaphore(%arg21 : memref<!tpu.dma_semaphore, #tpu.memory_space<semaphore_mem>>) src(%arg7 : memref<128x128xf32, #tpu.memory_space<vmem>>) dst(%dma_wait3A_219 : memref<128x128xf32, #tpu.memory_space<hbm>>)
        } else {
        }
        %lt3A_196 = arith.constant 45 : i32
        %lt3A_197 = arith.cmpi slt, %scan3A_53, %lt3A_196 : i32
        %convert_element_type3A_198 = arith.extui %lt3A_197 : i1 to i32
        %cond3A_199 = arith.constant 0 : i32
        %cond3A_200 = arith.cmpi ne, %convert_element_type3A_198, %cond3A_199 : i32
        scf.if %cond3A_200 {
          %add3A_214 = arith.constant 5 : i32
          %add3A_215 = arith.addi %scan3A_53, %add3A_214 : i32
          %dma_start3A_216 = arith.constant 0 : i32
          %dma_start3A_217 = tpu.memref_slice %arg5[%add3A_215, %dma_start3A_216] : memref<50x128xi32, #tpu.memory_space<vmem>> -> memref<1x128xi32, #tpu.memory_space<vmem>>
          %dma_start3A_218 = tpu.memref_squeeze %dma_start3A_217 : memref<1x128xi32, #tpu.memory_space<vmem>> -> memref<128xi32, #tpu.memory_space<vmem>>
          %dma_start3A_219 = arith.constant 0 : i32
          %dma_start3A_220 = arith.constant 0 : i32
          %dma_start3A_221 = tpu.memref_slice %arg3[%dma_start3A_219, %dma_start3A_220] : memref<100000x128xf32, #tpu.memory_space<hbm>> -> memref<100000x128xf32, #tpu.memory_space<hbm>>
          tpu.enqueue_indirect_dma source(%dma_start3A_221 : memref<100000x128xf32, #tpu.memory_space<hbm>>) target(%arg7 : memref<128x128xf32, #tpu.memory_space<vmem>>) offsets(%dma_start3A_218 : memref<128xi32, #tpu.memory_space<vmem>>) semaphore(%arg14 : memref<!tpu.dma_semaphore, #tpu.memory_space<semaphore_mem>>)
        } else {
        }
        %dma_wait3A_201 = arith.constant 0 : i32
        %dma_wait3A_202 = arith.constant 0 : i32
        %dma_wait3A_203 = tpu.memref_slice %arg3[%dma_wait3A_201, %dma_wait3A_202] : memref<100000x128xf32, #tpu.memory_space<hbm>> -> memref<128x128xf32, #tpu.memory_space<hbm>>
        %dma_wait3A_204 = arith.constant 0 : i32
        %dma_wait3A_205 = arith.constant 0 : i32
        %dma_wait3A_206 = tpu.memref_slice %arg3[%dma_wait3A_204, %dma_wait3A_205] : memref<100000x128xf32, #tpu.memory_space<hbm>> -> memref<128x128xf32, #tpu.memory_space<hbm>>
        tpu.wait_dma2 semaphore(%arg16 : memref<!tpu.dma_semaphore, #tpu.memory_space<semaphore_mem>>) src(%dma_wait3A_206 : memref<128x128xf32, #tpu.memory_space<hbm>>) dst(%arg9 : memref<128x128xf32, #tpu.memory_space<vmem>>)
        %mul3A_207 = arith.constant 128 : i32
        %mul3A_208 = arith.muli %scan3A_53, %mul3A_207 : i32
        %add3A_209 = arith.addi %mul3A_2, %mul3A_208 : i32
        %dma_start3A_210 = arith.constant 0 : i32
        %dma_start3A_211 = tpu.memref_slice %arg4[%add3A_209, %dma_start3A_210] : memref<204800x128xf32, #tpu.memory_space<hbm>> -> memref<128x128xf32, #tpu.memory_space<hbm>>
        %dma_start3A_212 = arith.constant 0 : i32
        %dma_start3A_213 = tpu.memref_slice %arg4[%add3A_209, %dma_start3A_212] : memref<204800x128xf32, #tpu.memory_space<hbm>> -> memref<128x128xf32, #tpu.memory_space<hbm>>
        tpu.enqueue_dma source(%arg9 : memref<128x128xf32, #tpu.memory_space<vmem>>) target(%dma_start3A_213 : memref<128x128xf32, #tpu.memory_space<hbm>>) target_semaphore(%arg23 : memref<!tpu.dma_semaphore, #tpu.memory_space<semaphore_mem>>)
      } else {
      }
      %jit3A_129 = arith.constant 7 : i32
      %eq3A_130 = arith.constant 0 : i32
      %eq3A_131 = arith.cmpi eq, %jit3A_129, %eq3A_130 : i32
      %jit3A_132 = arith.constant 1 : i32
      %select_n3A_133 = arith.select %eq3A_131, %jit3A_132, %jit3A_129 : i32
      %rem3A_134 = arith.remsi %scan3A_53, %select_n3A_133 : i32
      %ne3A_135 = arith.constant 0 : i32
      %ne3A_136 = arith.cmpi ne, %rem3A_134, %ne3A_135 : i32
      %lt3A_137 = arith.constant 0 : i32
      %lt3A_138 = arith.cmpi slt, %rem3A_134, %lt3A_137 : i32
      %lt3A_139 = arith.constant 0 : i32
      %lt3A_140 = arith.cmpi slt, %select_n3A_133, %lt3A_139 : i32
      %ne3A_141 = arith.xori %lt3A_138, %lt3A_140 : i1
      %and3A_142 = arith.andi %ne3A_141, %ne3A_136 : i1
      %add3A_143 = arith.addi %rem3A_134, %select_n3A_133 : i32
      %select_n3A_144 = arith.select %and3A_142, %add3A_143, %rem3A_134 : i32
      %eq3A_145 = arith.constant 4 : i32
      %eq3A_146 = arith.cmpi eq, %select_n3A_144, %eq3A_145 : i32
      %convert_element_type3A_147 = arith.extui %eq3A_146 : i1 to i32
      %cond3A_148 = arith.constant 0 : i32
      %cond3A_149 = arith.cmpi ne, %convert_element_type3A_147, %cond3A_148 : i32
      scf.if %cond3A_149 {
        %ge3A = arith.constant 2 : i32
        %ge3A_192 = arith.cmpi sge, %scan3A_53, %ge3A : i32
        %convert_element_type3A_193 = arith.extui %ge3A_192 : i1 to i32
        %cond3A_194 = arith.constant 0 : i32
        %cond3A_195 = arith.cmpi ne, %convert_element_type3A_193, %cond3A_194 : i32
        scf.if %cond3A_195 {
          %add3A_214 = arith.constant 0 : i32
          %add3A_215 = arith.addi %mul3A_2, %add3A_214 : i32
          %dma_wait3A_216 = arith.constant 0 : i32
          %dma_wait3A_217 = tpu.memref_slice %arg4[%add3A_215, %dma_wait3A_216] : memref<204800x128xf32, #tpu.memory_space<hbm>> -> memref<128x128xf32, #tpu.memory_space<hbm>>
          %dma_wait3A_218 = arith.constant 0 : i32
          %dma_wait3A_219 = tpu.memref_slice %arg4[%add3A_215, %dma_wait3A_218] : memref<204800x128xf32, #tpu.memory_space<hbm>> -> memref<128x128xf32, #tpu.memory_space<hbm>>
          tpu.wait_dma2 semaphore(%arg22 : memref<!tpu.dma_semaphore, #tpu.memory_space<semaphore_mem>>) src(%arg8 : memref<128x128xf32, #tpu.memory_space<vmem>>) dst(%dma_wait3A_219 : memref<128x128xf32, #tpu.memory_space<hbm>>)
        } else {
        }
        %lt3A_196 = arith.constant 45 : i32
        %lt3A_197 = arith.cmpi slt, %scan3A_53, %lt3A_196 : i32
        %convert_element_type3A_198 = arith.extui %lt3A_197 : i1 to i32
        %cond3A_199 = arith.constant 0 : i32
        %cond3A_200 = arith.cmpi ne, %convert_element_type3A_198, %cond3A_199 : i32
        scf.if %cond3A_200 {
          %add3A_214 = arith.constant 5 : i32
          %add3A_215 = arith.addi %scan3A_53, %add3A_214 : i32
          %dma_start3A_216 = arith.constant 0 : i32
          %dma_start3A_217 = tpu.memref_slice %arg5[%add3A_215, %dma_start3A_216] : memref<50x128xi32, #tpu.memory_space<vmem>> -> memref<1x128xi32, #tpu.memory_space<vmem>>
          %dma_start3A_218 = tpu.memref_squeeze %dma_start3A_217 : memref<1x128xi32, #tpu.memory_space<vmem>> -> memref<128xi32, #tpu.memory_space<vmem>>
          %dma_start3A_219 = arith.constant 0 : i32
          %dma_start3A_220 = arith.constant 0 : i32
          %dma_start3A_221 = tpu.memref_slice %arg3[%dma_start3A_219, %dma_start3A_220] : memref<100000x128xf32, #tpu.memory_space<hbm>> -> memref<100000x128xf32, #tpu.memory_space<hbm>>
          tpu.enqueue_indirect_dma source(%dma_start3A_221 : memref<100000x128xf32, #tpu.memory_space<hbm>>) target(%arg8 : memref<128x128xf32, #tpu.memory_space<vmem>>) offsets(%dma_start3A_218 : memref<128xi32, #tpu.memory_space<vmem>>) semaphore(%arg15 : memref<!tpu.dma_semaphore, #tpu.memory_space<semaphore_mem>>)
        } else {
        }
        %dma_wait3A_201 = arith.constant 0 : i32
        %dma_wait3A_202 = arith.constant 0 : i32
        %dma_wait3A_203 = tpu.memref_slice %arg3[%dma_wait3A_201, %dma_wait3A_202] : memref<100000x128xf32, #tpu.memory_space<hbm>> -> memref<128x128xf32, #tpu.memory_space<hbm>>
        %dma_wait3A_204 = arith.constant 0 : i32
        %dma_wait3A_205 = arith.constant 0 : i32
        %dma_wait3A_206 = tpu.memref_slice %arg3[%dma_wait3A_204, %dma_wait3A_205] : memref<100000x128xf32, #tpu.memory_space<hbm>> -> memref<128x128xf32, #tpu.memory_space<hbm>>
        tpu.wait_dma2 semaphore(%arg17 : memref<!tpu.dma_semaphore, #tpu.memory_space<semaphore_mem>>) src(%dma_wait3A_206 : memref<128x128xf32, #tpu.memory_space<hbm>>) dst(%arg10 : memref<128x128xf32, #tpu.memory_space<vmem>>)
        %mul3A_207 = arith.constant 128 : i32
        %mul3A_208 = arith.muli %scan3A_53, %mul3A_207 : i32
        %add3A_209 = arith.addi %mul3A_2, %mul3A_208 : i32
        %dma_start3A_210 = arith.constant 0 : i32
        %dma_start3A_211 = tpu.memref_slice %arg4[%add3A_209, %dma_start3A_210] : memref<204800x128xf32, #tpu.memory_space<hbm>> -> memref<128x128xf32, #tpu.memory_space<hbm>>
        %dma_start3A_212 = arith.constant 0 : i32
        %dma_start3A_213 = tpu.memref_slice %arg4[%add3A_209, %dma_start3A_212] : memref<204800x128xf32, #tpu.memory_space<hbm>> -> memref<128x128xf32, #tpu.memory_space<hbm>>
        tpu.enqueue_dma source(%arg10 : memref<128x128xf32, #tpu.memory_space<vmem>>) target(%dma_start3A_213 : memref<128x128xf32, #tpu.memory_space<hbm>>) target_semaphore(%arg24 : memref<!tpu.dma_semaphore, #tpu.memory_space<semaphore_mem>>)
      } else {
      }
      %jit3A_150 = arith.constant 7 : i32
      %eq3A_151 = arith.constant 0 : i32
      %eq3A_152 = arith.cmpi eq, %jit3A_150, %eq3A_151 : i32
      %jit3A_153 = arith.constant 1 : i32
      %select_n3A_154 = arith.select %eq3A_152, %jit3A_153, %jit3A_150 : i32
      %rem3A_155 = arith.remsi %scan3A_53, %select_n3A_154 : i32
      %ne3A_156 = arith.constant 0 : i32
      %ne3A_157 = arith.cmpi ne, %rem3A_155, %ne3A_156 : i32
      %lt3A_158 = arith.constant 0 : i32
      %lt3A_159 = arith.cmpi slt, %rem3A_155, %lt3A_158 : i32
      %lt3A_160 = arith.constant 0 : i32
      %lt3A_161 = arith.cmpi slt, %select_n3A_154, %lt3A_160 : i32
      %ne3A_162 = arith.xori %lt3A_159, %lt3A_161 : i1
      %and3A_163 = arith.andi %ne3A_162, %ne3A_157 : i1
      %add3A_164 = arith.addi %rem3A_155, %select_n3A_154 : i32
      %select_n3A_165 = arith.select %and3A_163, %add3A_164, %rem3A_155 : i32
      %eq3A_166 = arith.constant 5 : i32
      %eq3A_167 = arith.cmpi eq, %select_n3A_165, %eq3A_166 : i32
      %convert_element_type3A_168 = arith.extui %eq3A_167 : i1 to i32
      %cond3A_169 = arith.constant 0 : i32
      %cond3A_170 = arith.cmpi ne, %convert_element_type3A_168, %cond3A_169 : i32
      scf.if %cond3A_170 {
        %ge3A = arith.constant 2 : i32
        %ge3A_192 = arith.cmpi sge, %scan3A_53, %ge3A : i32
        %convert_element_type3A_193 = arith.extui %ge3A_192 : i1 to i32
        %cond3A_194 = arith.constant 0 : i32
        %cond3A_195 = arith.cmpi ne, %convert_element_type3A_193, %cond3A_194 : i32
        scf.if %cond3A_195 {
          %add3A_214 = arith.constant 0 : i32
          %add3A_215 = arith.addi %mul3A_2, %add3A_214 : i32
          %dma_wait3A_216 = arith.constant 0 : i32
          %dma_wait3A_217 = tpu.memref_slice %arg4[%add3A_215, %dma_wait3A_216] : memref<204800x128xf32, #tpu.memory_space<hbm>> -> memref<128x128xf32, #tpu.memory_space<hbm>>
          %dma_wait3A_218 = arith.constant 0 : i32
          %dma_wait3A_219 = tpu.memref_slice %arg4[%add3A_215, %dma_wait3A_218] : memref<204800x128xf32, #tpu.memory_space<hbm>> -> memref<128x128xf32, #tpu.memory_space<hbm>>
          tpu.wait_dma2 semaphore(%arg23 : memref<!tpu.dma_semaphore, #tpu.memory_space<semaphore_mem>>) src(%arg9 : memref<128x128xf32, #tpu.memory_space<vmem>>) dst(%dma_wait3A_219 : memref<128x128xf32, #tpu.memory_space<hbm>>)
        } else {
        }
        %lt3A_196 = arith.constant 45 : i32
        %lt3A_197 = arith.cmpi slt, %scan3A_53, %lt3A_196 : i32
        %convert_element_type3A_198 = arith.extui %lt3A_197 : i1 to i32
        %cond3A_199 = arith.constant 0 : i32
        %cond3A_200 = arith.cmpi ne, %convert_element_type3A_198, %cond3A_199 : i32
        scf.if %cond3A_200 {
          %add3A_214 = arith.constant 5 : i32
          %add3A_215 = arith.addi %scan3A_53, %add3A_214 : i32
          %dma_start3A_216 = arith.constant 0 : i32
          %dma_start3A_217 = tpu.memref_slice %arg5[%add3A_215, %dma_start3A_216] : memref<50x128xi32, #tpu.memory_space<vmem>> -> memref<1x128xi32, #tpu.memory_space<vmem>>
          %dma_start3A_218 = tpu.memref_squeeze %dma_start3A_217 : memref<1x128xi32, #tpu.memory_space<vmem>> -> memref<128xi32, #tpu.memory_space<vmem>>
          %dma_start3A_219 = arith.constant 0 : i32
          %dma_start3A_220 = arith.constant 0 : i32
          %dma_start3A_221 = tpu.memref_slice %arg3[%dma_start3A_219, %dma_start3A_220] : memref<100000x128xf32, #tpu.memory_space<hbm>> -> memref<100000x128xf32, #tpu.memory_space<hbm>>
          tpu.enqueue_indirect_dma source(%dma_start3A_221 : memref<100000x128xf32, #tpu.memory_space<hbm>>) target(%arg9 : memref<128x128xf32, #tpu.memory_space<vmem>>) offsets(%dma_start3A_218 : memref<128xi32, #tpu.memory_space<vmem>>) semaphore(%arg16 : memref<!tpu.dma_semaphore, #tpu.memory_space<semaphore_mem>>)
        } else {
        }
        %dma_wait3A_201 = arith.constant 0 : i32
        %dma_wait3A_202 = arith.constant 0 : i32
        %dma_wait3A_203 = tpu.memref_slice %arg3[%dma_wait3A_201, %dma_wait3A_202] : memref<100000x128xf32, #tpu.memory_space<hbm>> -> memref<128x128xf32, #tpu.memory_space<hbm>>
        %dma_wait3A_204 = arith.constant 0 : i32
        %dma_wait3A_205 = arith.constant 0 : i32
        %dma_wait3A_206 = tpu.memref_slice %arg3[%dma_wait3A_204, %dma_wait3A_205] : memref<100000x128xf32, #tpu.memory_space<hbm>> -> memref<128x128xf32, #tpu.memory_space<hbm>>
        tpu.wait_dma2 semaphore(%arg18 : memref<!tpu.dma_semaphore, #tpu.memory_space<semaphore_mem>>) src(%dma_wait3A_206 : memref<128x128xf32, #tpu.memory_space<hbm>>) dst(%arg11 : memref<128x128xf32, #tpu.memory_space<vmem>>)
        %mul3A_207 = arith.constant 128 : i32
        %mul3A_208 = arith.muli %scan3A_53, %mul3A_207 : i32
        %add3A_209 = arith.addi %mul3A_2, %mul3A_208 : i32
        %dma_start3A_210 = arith.constant 0 : i32
        %dma_start3A_211 = tpu.memref_slice %arg4[%add3A_209, %dma_start3A_210] : memref<204800x128xf32, #tpu.memory_space<hbm>> -> memref<128x128xf32, #tpu.memory_space<hbm>>
        %dma_start3A_212 = arith.constant 0 : i32
        %dma_start3A_213 = tpu.memref_slice %arg4[%add3A_209, %dma_start3A_212] : memref<204800x128xf32, #tpu.memory_space<hbm>> -> memref<128x128xf32, #tpu.memory_space<hbm>>
        tpu.enqueue_dma source(%arg11 : memref<128x128xf32, #tpu.memory_space<vmem>>) target(%dma_start3A_213 : memref<128x128xf32, #tpu.memory_space<hbm>>) target_semaphore(%arg25 : memref<!tpu.dma_semaphore, #tpu.memory_space<semaphore_mem>>)
      } else {
      }
      %jit3A_171 = arith.constant 7 : i32
      %eq3A_172 = arith.constant 0 : i32
      %eq3A_173 = arith.cmpi eq, %jit3A_171, %eq3A_172 : i32
      %jit3A_174 = arith.constant 1 : i32
      %select_n3A_175 = arith.select %eq3A_173, %jit3A_174, %jit3A_171 : i32
      %rem3A_176 = arith.remsi %scan3A_53, %select_n3A_175 : i32
      %ne3A_177 = arith.constant 0 : i32
      %ne3A_178 = arith.cmpi ne, %rem3A_176, %ne3A_177 : i32
      %lt3A_179 = arith.constant 0 : i32
      %lt3A_180 = arith.cmpi slt, %rem3A_176, %lt3A_179 : i32
      %lt3A_181 = arith.constant 0 : i32
      %lt3A_182 = arith.cmpi slt, %select_n3A_175, %lt3A_181 : i32
      %ne3A_183 = arith.xori %lt3A_180, %lt3A_182 : i1
      %and3A_184 = arith.andi %ne3A_183, %ne3A_178 : i1
      %add3A_185 = arith.addi %rem3A_176, %select_n3A_175 : i32
      %select_n3A_186 = arith.select %and3A_184, %add3A_185, %rem3A_176 : i32
      %eq3A_187 = arith.constant 6 : i32
      %eq3A_188 = arith.cmpi eq, %select_n3A_186, %eq3A_187 : i32
      %convert_element_type3A_189 = arith.extui %eq3A_188 : i1 to i32
      %cond3A_190 = arith.constant 0 : i32
      %cond3A_191 = arith.cmpi ne, %convert_element_type3A_189, %cond3A_190 : i32
      scf.if %cond3A_191 {
        %ge3A = arith.constant 2 : i32
        %ge3A_192 = arith.cmpi sge, %scan3A_53, %ge3A : i32
        %convert_element_type3A_193 = arith.extui %ge3A_192 : i1 to i32
        %cond3A_194 = arith.constant 0 : i32
        %cond3A_195 = arith.cmpi ne, %convert_element_type3A_193, %cond3A_194 : i32
        scf.if %cond3A_195 {
          %add3A_214 = arith.constant 0 : i32
          %add3A_215 = arith.addi %mul3A_2, %add3A_214 : i32
          %dma_wait3A_216 = arith.constant 0 : i32
          %dma_wait3A_217 = tpu.memref_slice %arg4[%add3A_215, %dma_wait3A_216] : memref<204800x128xf32, #tpu.memory_space<hbm>> -> memref<128x128xf32, #tpu.memory_space<hbm>>
          %dma_wait3A_218 = arith.constant 0 : i32
          %dma_wait3A_219 = tpu.memref_slice %arg4[%add3A_215, %dma_wait3A_218] : memref<204800x128xf32, #tpu.memory_space<hbm>> -> memref<128x128xf32, #tpu.memory_space<hbm>>
          tpu.wait_dma2 semaphore(%arg24 : memref<!tpu.dma_semaphore, #tpu.memory_space<semaphore_mem>>) src(%arg10 : memref<128x128xf32, #tpu.memory_space<vmem>>) dst(%dma_wait3A_219 : memref<128x128xf32, #tpu.memory_space<hbm>>)
        } else {
        }
        %lt3A_196 = arith.constant 45 : i32
        %lt3A_197 = arith.cmpi slt, %scan3A_53, %lt3A_196 : i32
        %convert_element_type3A_198 = arith.extui %lt3A_197 : i1 to i32
        %cond3A_199 = arith.constant 0 : i32
        %cond3A_200 = arith.cmpi ne, %convert_element_type3A_198, %cond3A_199 : i32
        scf.if %cond3A_200 {
          %add3A_214 = arith.constant 5 : i32
          %add3A_215 = arith.addi %scan3A_53, %add3A_214 : i32
          %dma_start3A_216 = arith.constant 0 : i32
          %dma_start3A_217 = tpu.memref_slice %arg5[%add3A_215, %dma_start3A_216] : memref<50x128xi32, #tpu.memory_space<vmem>> -> memref<1x128xi32, #tpu.memory_space<vmem>>
          %dma_start3A_218 = tpu.memref_squeeze %dma_start3A_217 : memref<1x128xi32, #tpu.memory_space<vmem>> -> memref<128xi32, #tpu.memory_space<vmem>>
          %dma_start3A_219 = arith.constant 0 : i32
          %dma_start3A_220 = arith.constant 0 : i32
          %dma_start3A_221 = tpu.memref_slice %arg3[%dma_start3A_219, %dma_start3A_220] : memref<100000x128xf32, #tpu.memory_space<hbm>> -> memref<100000x128xf32, #tpu.memory_space<hbm>>
          tpu.enqueue_indirect_dma source(%dma_start3A_221 : memref<100000x128xf32, #tpu.memory_space<hbm>>) target(%arg10 : memref<128x128xf32, #tpu.memory_space<vmem>>) offsets(%dma_start3A_218 : memref<128xi32, #tpu.memory_space<vmem>>) semaphore(%arg17 : memref<!tpu.dma_semaphore, #tpu.memory_space<semaphore_mem>>)
        } else {
        }
        %dma_wait3A_201 = arith.constant 0 : i32
        %dma_wait3A_202 = arith.constant 0 : i32
        %dma_wait3A_203 = tpu.memref_slice %arg3[%dma_wait3A_201, %dma_wait3A_202] : memref<100000x128xf32, #tpu.memory_space<hbm>> -> memref<128x128xf32, #tpu.memory_space<hbm>>
        %dma_wait3A_204 = arith.constant 0 : i32
        %dma_wait3A_205 = arith.constant 0 : i32
        %dma_wait3A_206 = tpu.memref_slice %arg3[%dma_wait3A_204, %dma_wait3A_205] : memref<100000x128xf32, #tpu.memory_space<hbm>> -> memref<128x128xf32, #tpu.memory_space<hbm>>
        tpu.wait_dma2 semaphore(%arg19 : memref<!tpu.dma_semaphore, #tpu.memory_space<semaphore_mem>>) src(%dma_wait3A_206 : memref<128x128xf32, #tpu.memory_space<hbm>>) dst(%arg12 : memref<128x128xf32, #tpu.memory_space<vmem>>)
        %mul3A_207 = arith.constant 128 : i32
        %mul3A_208 = arith.muli %scan3A_53, %mul3A_207 : i32
        %add3A_209 = arith.addi %mul3A_2, %mul3A_208 : i32
        %dma_start3A_210 = arith.constant 0 : i32
        %dma_start3A_211 = tpu.memref_slice %arg4[%add3A_209, %dma_start3A_210] : memref<204800x128xf32, #tpu.memory_space<hbm>> -> memref<128x128xf32, #tpu.memory_space<hbm>>
        %dma_start3A_212 = arith.constant 0 : i32
        %dma_start3A_213 = tpu.memref_slice %arg4[%add3A_209, %dma_start3A_212] : memref<204800x128xf32, #tpu.memory_space<hbm>> -> memref<128x128xf32, #tpu.memory_space<hbm>>
        tpu.enqueue_dma source(%arg12 : memref<128x128xf32, #tpu.memory_space<vmem>>) target(%dma_start3A_213 : memref<128x128xf32, #tpu.memory_space<hbm>>) target_semaphore(%arg26 : memref<!tpu.dma_semaphore, #tpu.memory_space<semaphore_mem>>)
      } else {
      }
    }
    %scan3A_41 = arith.constant 50 : i32
    %add3A_42 = arith.constant 0 : i32
    %add3A_43 = arith.addi %mul3A_2, %add3A_42 : i32
    %dma_wait3A = arith.constant 0 : i32
    %dma_wait3A_44 = tpu.memref_slice %arg4[%add3A_43, %dma_wait3A] : memref<204800x128xf32, #tpu.memory_space<hbm>> -> memref<128x128xf32, #tpu.memory_space<hbm>>
    %dma_wait3A_45 = arith.constant 0 : i32
    %dma_wait3A_46 = tpu.memref_slice %arg4[%add3A_43, %dma_wait3A_45] : memref<204800x128xf32, #tpu.memory_space<hbm>> -> memref<128x128xf32, #tpu.memory_space<hbm>>
    tpu.wait_dma2 semaphore(%arg26 : memref<!tpu.dma_semaphore, #tpu.memory_space<semaphore_mem>>) src(%arg12 : memref<128x128xf32, #tpu.memory_space<vmem>>) dst(%dma_wait3A_46 : memref<128x128xf32, #tpu.memory_space<hbm>>)
    %add3A_47 = arith.constant 0 : i32
    %add3A_48 = arith.addi %mul3A_2, %add3A_47 : i32
    %dma_wait3A_49 = arith.constant 0 : i32
    %dma_wait3A_50 = tpu.memref_slice %arg4[%add3A_48, %dma_wait3A_49] : memref<204800x128xf32, #tpu.memory_space<hbm>> -> memref<128x128xf32, #tpu.memory_space<hbm>>
    %dma_wait3A_51 = arith.constant 0 : i32
    %dma_wait3A_52 = tpu.memref_slice %arg4[%add3A_48, %dma_wait3A_51] : memref<204800x128xf32, #tpu.memory_space<hbm>> -> memref<128x128xf32, #tpu.memory_space<hbm>>
    tpu.wait_dma2 semaphore(%arg20 : memref<!tpu.dma_semaphore, #tpu.memory_space<semaphore_mem>>) src(%arg6 : memref<128x128xf32, #tpu.memory_space<vmem>>) dst(%dma_wait3A_52 : memref<128x128xf32, #tpu.memory_space<hbm>>)
    return
  }
}

</mosaic_0001>

<sc_bundles>
// kernel: kernel.3.cloned.1.call-start
scs
__scs_entry_jumppad:
0x0: {  	(pc) =	sbr.rel $0x88, $3  }
0x1: {  	(tag) =	ssettag $0x0;
	lr =	simm.s32 $0x1  }
0x2: {  	[smem:$0x3F9F] =	sst lr;
	_ =	strace $0xD0000000  }
0x3: {  	_ = 	snop  }
0x4: {  	_ = 	snop  }
0x5: {  	_ = 	snop  }
0x6: {  	_ = 	snop  }
0x7: {  	_ = 	snop  }
__scs_overlays_trampoline_lowered:
0x8: {  	[smem:$0x3FAE] =	sst s0  }
0x9: {  	[smem:$0x3FAF] =	sst s1  }
0xa: {  	[smem:$0x3FB0] =	sst s2  }
0xb: {  	[smem:$0x3FB1] =	sst s3  }
0xc: {  	[smem:$0x3FB2] =	sst s4  }
0xd: {  	[smem:$0x3FB3] =	sst s5  }
0xe: {  	[smem:$0x3FB4] =	sst s6  }
0xf: {  	[smem:$0x3FB5] =	sst s7  }
0x10: {  	[smem:$0x3FB6] =	sst s8  }
0x11: {  	[smem:$0x3FB7] =	sst s9;
	s0 =	simm.s32 @!p0 $0x0  }
0x12: {  	s1 =	sld [smem:$0x3F9D];
	s0 =	simm.s32 @p0 $0x1  }
0x13: {  	[smem:$0x3FB8] =	sst s0;
	s0 =	simm.s32 @!p1 $0x0  }
0x14: {  	s2 =	sld [smem:$0x3F9C];
	s0 =	simm.s32 @p1 $0x1  }
0x15: {  	[smem:$0x3FB9] =	sst s0;
	s0 =	simm.s32 @!p2 $0x0  }
0x16: {  	s3 =	sld [smem:$0x3FDB];
	s0 =	simm.s32 @p2 $0x1  }
0x17: {  	s4 =	simm.s32 $0x1BF5;
	[smem:$0x3FBB] =	sst s0  }
0x18: {  	s0 =	sld [smem:$0x3F9E];
	_ =	swait.ge [sflag:s4], $0x0  }
0x19: {  	s7 =	sld [smem:$0x3F9F]  }
0x1a: {  	s8 =	sadd.s32 $0xFFFFE003, lr  }
0x1b: {  	s9 =	sadd.s32 $0xFFFFFEF7, lr;
	s5 =	simm.s32 $0xFFFFFFFF;
	p2 =	slt.u32 s8, $0xFFFFF086  }
0x1c: {  	p1 =	slt.u32 s9, $0xF7A;
	s5 =	simm.s32 @!p2 $0x0  }
0x1d: {  	s5 =	simm.s32 @p1 $0x1;
	p0 =	seq.s32 s7, s2  }
0x1e: {  	s7 =	smul.u32 @!p0 $0xF7A, s2;
	p2 =	seq.s32 @!p0 s5, $0x0  }
0x1f: {  	s9 =	smul.u32 $0xF7A, s1;
	s8 =	simm.s32 @!p0 $0x1BF5;
	p2 =	por !p2, p0  }
0x20: {  	[sflag:s8] =	ssyncset.s32 @!p0 $0xFFFFF086;
	s6 =	sadd.s32 @!p0 s3, s7;
	s7 =	simm.s32 @!p0 $0x108  }
0x21: {  	s3 =	sadd.s32 s3, s9;
	s6 =	sadd.s32 @!p0 $0x88, s6;
	s7 =	simm.s32 @p2 $0x1082  }
0x22: {  	[simem:s7], [sflag:s8] =	dma.local @!p0 [hbm:s6], $0xF7A  }
0x23: {  	s9 =	sor.u32 $0xD0000000, s2;
	s6 =	simm.s32 $0x108;
	_ =	swait.ge @!p0 [sflag:s8], $0x0  }
0x24: {  	s3 =	sadd.s32 $0x88, s3;
	s6 =	simm.s32 @!p1 $0x1082;
	[sflag:s4] =	ssyncset.s32 $0xFFFFF086  }
0x25: {  	[simem:s6], [sflag:s4] =	dma.local [hbm:s3], $0xF7A  }
0x26: {  	[smem:$0x3F9F] =	sst s1;
	(tag) =	ssettag s2;
	_ =	strace s9  }
0x27: {  	s1 =	sld [smem:$0x3FAF]  }
0x28: {  	s2 =	sld [smem:$0x3FB0]  }
0x29: {  	s4 =	sld [smem:$0x3FB2]  }
0x2a: {  	p0 =	seq.s32 s5, $0x0;
	s5 =	sld [smem:$0x3FB3]  }
0x2b: {  	s6 =	sld [smem:$0x3FB4]  }
0x2c: {  	s7 =	sld [smem:$0x3FB5]  }
0x2d: {  	s3 =	simm.s32 $0x108;
	s8 =	sld [smem:$0x3FB6]  }
0x2e: {  	s3 =	simm.s32 @!p0 $0x1082;
	s9 =	sld [smem:$0x3FB7]  }
0x2f: {  	lr =	sadd.s32 s0, s3;
	s0 =	sld [smem:$0x3FAE]  }
0x30: {  	s3 =	sld [smem:$0x3FB1]  }
0x31: {  	[smem:$0x3FBA] =	sst s10  }
0x32: {  	s10 =	sld [smem:$0x3FB8];
	_ =	sdelay $0x3  }
0x33: {  	p0 =	seq.s32 s10, $0x1;
	s10 =	sld [smem:$0x3FBA];
	_ =	sdelay $0x3  }
0x34: {  	[smem:$0x3FBA] =	sst s10  }
0x35: {  	s10 =	sld [smem:$0x3FB9];
	_ =	sdelay $0x3  }
0x36: {  	p1 =	seq.s32 s10, $0x1;
	s10 =	sld [smem:$0x3FBA];
	_ =	sdelay $0x3  }
0x37: {  	[smem:$0x3FBA] =	sst s10  }
0x38: {  	s10 =	sld [smem:$0x3FBB]  }
0x39: {  	_ = 	snop;
	(pc) =	sbr.ind lr, $3  }
0x3a: {  	_ = 	snop  }
0x3b: {  	_ = 	snop  }
0x3c: {  	p2 =	seq.s32 s10, $0x1;
	s10 =	sld [smem:$0x3FBA]  }
0x3d: {  	_ =	shalt  }
0x3e: {  	_ =	shalt  }
0x3f: {  	_ =	shalt  }
0x40: {  	_ =	shalt  }
0x41: {  	_ =	shalt  }
0x42: {  	_ =	shalt  }
0x43: {  	_ =	shalt  }
0x44: {  	_ =	shalt  }
0x45: {  	_ =	shalt  }
0x46: {  	_ =	shalt  }
0x47: {  	_ =	shalt  }
0x48: {  	_ =	shalt  }
0x49: {  	_ =	shalt  }
0x4a: {  	_ =	shalt  }
0x4b: {  	_ =	shalt  }
0x4c: {  	_ =	shalt  }
0x4d: {  	_ =	shalt  }
0x4e: {  	_ =	shalt  }
0x4f: {  	_ =	shalt  }
0x50: {  	_ =	shalt  }
0x51: {  	_ =	shalt  }
0x52: {  	_ =	shalt  }
0x53: {  	_ =	shalt  }
0x54: {  	_ =	shalt  }
0x55: {  	_ =	shalt  }
0x56: {  	_ =	shalt  }
0x57: {  	_ =	shalt  }
0x58: {  	_ =	shalt  }
0x59: {  	_ =	shalt  }
0x5a: {  	_ =	shalt  }
0x5b: {  	_ =	shalt  }
0x5c: {  	_ =	shalt  }
0x5d: {  	_ =	shalt  }
0x5e: {  	_ =	shalt  }
0x5f: {  	_ =	shalt  }
0x60: {  	_ =	shalt  }
0x61: {  	_ =	shalt  }
0x62: {  	_ =	shalt  }
0x63: {  	_ =	shalt  }
0x64: {  	_ =	shalt  }
0x65: {  	_ =	shalt  }
0x66: {  	_ =	shalt  }
0x67: {  	_ =	shalt  }
0x68: {  	_ =	shalt  }
0x69: {  	_ =	shalt  }
0x6a: {  	_ =	shalt  }
0x6b: {  	_ =	shalt  }
0x6c: {  	_ =	shalt  }
0x6d: {  	_ =	shalt  }
0x6e: {  	_ =	shalt  }
0x6f: {  	_ =	shalt  }
0x70: {  	_ =	shalt  }
0x71: {  	_ =	shalt  }
0x72: {  	_ =	shalt  }
0x73: {  	_ =	shalt  }
0x74: {  	_ =	shalt  }
0x75: {  	_ =	shalt  }
0x76: {  	_ =	shalt  }
0x77: {  	_ =	shalt  }
0x78: {  	_ =	shalt  }
0x79: {  	_ =	shalt  }
0x7a: {  	_ =	shalt  }
0x7b: {  	_ =	shalt  }
0x7c: {  	_ =	shalt  }
0x7d: {  	_ =	shalt  }
0x7e: {  	_ =	shalt  }
0x7f: {  	_ =	shalt  }
0x80: {  	_ =	shalt  }
0x81: {  	_ =	shalt  }
0x82: {  	_ =	shalt  }
0x83: {  	_ =	shalt  }
0x84: {  	_ =	shalt  }
0x85: {  	_ =	shalt  }
0x86: {  	_ =	shalt  }
0x87: {  	_ =	shalt  }
.Lfunc_end0:
.L_simem_size_0:
called_computation_lowered:
.L_overlay_start_0:
0x88: {  	s2 =	sld [smem:$0x3FD9]  }
0x89: {  	s3 =	sld [smem:$0x3FFE];
	_ =	sdelay $0x1  }
0x8a: {  	s1 =	srdreg.scid  }
0x8b: {  	s0 =	sand.u32 $0x1, s1  }
0x8c: {  	s17 =	sshll.u32 s0, $0xA;
	s2 =	sadd.s32 s3, s2  }
0x8d: {  	s2 =	sadd.s32 s2, s17  }
0x8e: {  	[smem:$0x3FC6] =	sst s2  }
0x8f: {  	_ = 	snop  }
0x90: {  	s2 =	sld [smem:$0x3FC8]  }
0x91: {  	s18 =	sld [smem:$0x3FD0];
	(tm) =	ssettm $0x1  }
0x92: {  	s4 =	sld [smem:$0x3FFB];
	_ =	sdelay $0x3  }
0x93: {  	_ =	strace s4  }
0x94: {  	s4 =	sld [smem:$0x3FFC];
	_ =	sdelay $0x3  }
0x95: {  	_ =	strace s4  }
0x96: {  	s4 =	sld [smem:$0x3FFD];
	_ =	sdelay $0x3  }
0x97: {  	_ =	strace s4  }
0x98: {  	_ =	strace $0x8FFFFFFF  }
0x99: {  	s19 =	sld [smem:$0x3FDB];
	_ =	sdelay $0x1  }
0x9a: {  	s5 =	simm.s32 $_scs_section_size  }
0x9b: {  	s6 =	simm.s32 $_size__tile_overlayer_lowered;
	s7 =	simm.s32 $_tile_overlayer_lowered  }
0x9c: {  	s22 =	simm.s32 $0x1BFF;
	s21 =	sshll.u32 s7, $0x1;
	s4 =	sadd.s32 s5, s19  }
0x9d: {  	s8 =	simm.s32 $0x0;
	s20 =	sshll.u32 s6, $0x1;
	s6 =	sadd.s32 s21, s4  }
0x9e: {  	[timem:s8], [sflag:s22] =	dma.local [hbm:s6], s20  }
0x9f: {  	_ =	swait.ge [sflag:s22], s20  }
0xa0: {  	s5 =	ssub.s32 $0x0, s20;
	[sflag:s22] =	ssyncset.done $0x0  }
0xa1: {  	[sflag:s22] =	ssyncadd.s32 s5;
	_ =	sdelay $0x1  }
0xa2: {  	s23 =	simm.s32 $0x1B8B  }
0xa3: {  	_ =	swait.ge [sflag:s23], $0x1  }
0xa4: {  	[sflag:s23] =	ssyncset.done $0x0  }
0xa5: {  	s25 =	simm.s32 $0x1B8E;
	s24 =	sld [smem:$0x3FFE];
	[sflag:s23] =	ssyncadd.s32 $0xFFFFFFFF  }
0xa6: {  	s26 =	simm.s32 $execute0_lowered;
	[smem:$0x3FD2] =	sst s25  }
0xa7: {  	s6 =	sshll.u32 s26, $0x1;
	_ =	strace $0x80000046;
	[dreg:$0x1] =	wrdreg $0xFFFFFFFF  }
0xa8: {  	s28 =	simm.s32 $_size_execute0_lowered;
	s4 =	sadd.s32 s4, s6;
	[dreg:$0x0] =	wrdreg $0x0  }
0xa9: {  	s6 =	sshll.u32 s28, $0x1;
	[dreg:$0x2] =	wrdreg s4  }
0xaa: {  	[dreg:$0x3] =	wrdreg s6  }
0xab: {  	[dreg:$0x4] =	wrdreg $0xC0  }
0xac: {  	_ =	task [dreg:s8], $0x5FFFF  }
0xad: {  	[dreg:$0x1] =	wrdreg $0xFFFFFFFF  }
0xae: {  	[dreg:$0x0] =	wrdreg $0x60  }
0xaf: {  	[dreg:$0x2] =	wrdreg s24  }
0xb0: {  	[dreg:$0x3] =	wrdreg s2  }
0xb1: {  	[dreg:$0x4] =	wrdreg s18  }
0xb2: {  	[dreg:$0x5] =	wrdreg $0x9  }
0xb3: {  	_ =	task.clear_ibuf [dreg:s8], $0x6FFFF;
	_ =	strace $0x90000046  }
0xb4: {  	s29 =	simm.s32 $0x9;
	_ =	strace $0x80000048  }
0xb5: {  	_ =	swait.ge [sflag:s29], $0x1  }
0xb6: {  	[sflag:s29] =	ssyncadd.s32 $0xFFFFFFFF  }
0xb7: {  	_ =	strace $0x90000048  }
0xb8: {  	_ =	sfence  }
0xb9: {  	s30 =	sld [smem:$0x0];
	_ =	sdelay $0x2  }
0xba: {  	s31 =	sshll.u32 s1, $0xD;
	s1 =	sshrl.u32 s1, $0x2  }
0xbb: {  	s3 =	sand.u32 $0x4000, s31;
	s1 =	sadd.s32 s1, s30  }
0xbc: {  	s0 =	sor.u32 s3, s0;
	s1 =	sshll.u32 s1, $0x11  }
0xbd: {  	s0 =	sor.u32 s1, s0  }
0xbe: {  	s0 =	sadd.s32 $0x8F2B, s0  }
0xbf: {  	[sflag:s0] =	ssyncadd.remote.s32 $0x1  }
0xc0: {  	_ =	sfence.sel $0xFFFF  }
0xc1: {  	[dreg:$0x0] =	wrdreg $0xFFFFFFFF;
	(pc) =	sbr.abs _section_cstart, $3  }
0xc2: {  	[dreg:$0x1] =	wrdreg $0xFFFFFFFF  }
0xc3: {  	_ =	task.clear_ibuf [dreg:s8], $0x2FFFF;
	_ =	strace $0x9FFFFFFF  }
0xc4: {  	(tm) =	ssettm $0x7FFFFFFF  }
0xc5: {  	_ =	shalt  }
tec
execute0_lowered:
.L_overlay_start_1:
0x0: {  	(tag) =	ssettag $0x1  }
0x1: {  	s4 =	rddreg [dreg:$0x0]  }
0x2: {  	s1 =	rddreg [dreg:$0x1]  }
0x3: {  	s6 =	rddreg [dreg:$0x2];
	s2 =	srdreg.scid  }
0x4: {  	s0 =	rddreg [dreg:$0x3];
	s3 =	simm.s32 $0x0;
	s11 =	simm.s32 $0x100  }
0x5: {  	s12 =	simm.s32 $0x9C00;
	s13 =	simm.s32 $0x180;
	s14 =	simm.s32 $0xDC00  }
0x6: {  	s15 =	simm.s32 $0x200;
	s16 =	simm.s32 $0x11C00;
	s17 =	simm.s32 $0x15C00  }
0x7: {  	s18 =	simm.s32 $0x1;
	s19 =	simm.s32 $0x19C00;
	s20 =	simm.s32 $0x2  }
0x8: {  	s21 =	simm.s32 $0x8;
	s22 =	simm.s32 $0x3;
	s23 =	simm.s32 $0xE  }
0x9: {  	s24 =	simm.s32 $0x0;
	s5 =	sand.u32 $0x1, s2;
	s2 =	stileid.u32  }
0xa: {  	[smem:$0x7FF] =	sst s3;
	s7 =	sshll.u32 s5, $0x4;
	s8 =	smul.u32 $0xC80000, s5  }
0xb: {  	s9 =	smul.u32 $0xC8000, s2;
	s5 =	ssub.s32 $0x2, s5;
	_ =	strace $0x80000047  }
.Ltmp0:
0xc: {  	s7 =	sor.u32 s2, s7;
	s10 =	sshrl.u32 s5, $0x1;
	(pc) =	sbr.rel .LBB2_1-.Ltmp0, $4  }
0xd: {  	s7 =	smul.u32 $0x380, s7;
	s8 =	sadd.s32 s9, s8;
	s5 =	ssub.s32 s5, s10  }
0xe: {  	s9 =	simm.s32 $0x1C00;
	s10 =	simm.s32 $0x5C00;
	s31 =	sshrl.u32 s8, $0x3  }
0xf: {  	s5 =	smax.u32 s5, $0x1;
	s8 =	simm.s32 $0x80;
	s4 =	sadd.s32 s7, s4  }
0x10: {  	s6 =	sadd.s32 s31, s6;
	s7 =	simm.s32 $0xF;
	s4 =	sadd.s32 $0x400, s4  }
.LBB2_10:
0x11: {  	s24 =	sadd.s32 $0x1, s24  }
0x12: {  	_ =	swait.ge [sflag:s23], $0x4000;
	p0 =	sne.s32 s24, s5  }
.Ltmp1:
0x13: {  	[sflag:s23] =	ssyncset.done $0x0;
	(pc) =	sbr.rel @!p0 .LBB2_11-.Ltmp1, $4  }
0x14: {  	[sflag:s23] =	ssyncadd.s32 $0xFFFFC000  }
0x15: {  	_ =	swait.ge [sflag:s21], $0x4000  }
0x16: {  	[sflag:s21] =	ssyncset.done $0x0  }
0x17: {  	[sflag:s21] =	ssyncadd.s32 $0xFFFFC000  }
.LBB2_1:
0x18: {  	[tilespmem:s3], [sflag:$0xF] =	stream.linear.gather [hbm4b:s4+s3], $0x1900, $0x38;
	[tilespmem:$0x1DC00] =	vst v63  }
0x19: {  	_ =	swait.ge [sflag:s7], $0x1900  }
0x1a: {  	[sflag:s7] =	ssyncset.done $0x0  }
0x1b: {  	[sflag:s7] =	ssyncadd.s32 $0xFFFFE700  }
0x1c: {  	[tilespmem:s9], [sflag:$0x1] =	stream.indirect.gather [hbm4b:s1+s8], $0x80, s3, s8, $0xb8;
	[tilespmem:$0x1DC00] =	vst v63  }
0x1d: {  	_ = 	snop  }
0x1e: {  	[tilespmem:s10], [sflag:$0x2] =	stream.indirect.gather [hbm4b:s1+s8], $0x80, s8, s8, $0xb8;
	[tilespmem:$0x1DC00] =	vst v63  }
0x1f: {  	_ = 	snop  }
0x20: {  	[tilespmem:s12], [sflag:$0x3] =	stream.indirect.gather [hbm4b:s1+s8], $0x80, s11, s8, $0xb8;
	[tilespmem:$0x1DC00] =	vst v63  }
.Ltmp2:
0x21: {  	_ = 	snop;
	(pc) =	sbr.rel .LBB2_2-.Ltmp2, $4  }
0x22: {  	_ = 	snop  }
0x23: {  	[tilespmem:s14], [sflag:$0x4] =	stream.indirect.gather [hbm4b:s1+s8], $0x80, s13, s8, $0xb8;
	[tilespmem:$0x1DC00] =	vst v63  }
0x24: {  	s25 =	simm.s32 $0x280;
	s26 =	smov.u32 s6;
	s28 =	simm.s32 $0x0  }
0x25: {  	[tilespmem:s16], [sflag:$0x5] =	stream.indirect.gather [hbm4b:s1+s8], $0x80, s15, s8, $0xb8;
	[tilespmem:$0x1DC00] =	vst v63  }
.LBB2_6:
0x26: {  	p0 =	sgt.s32 s29, $0x4  }
0x27: {  	p1 =	seq.s32 @p0 s29, $0x5  }
0x28: {  	p2 =	por !p1, !p0  }
0x29: {  	s30 =	simm.s32 @!p2 $0xB;
	p3 =	sgt.u32 @!p2 s28, $0x2C  }
0x2a: {  	_ =	swait.ge @!p2 [sflag:s30], $0x4000;
	p3 =	por @p0 p3, !p1  }
0x2b: {  	[sflag:s30] =	ssyncset.done @!p2 $0x0;
	p3 =	por p3, !p0  }
0x2c: {  	[sflag:s30] =	ssyncadd.s32 @!p2 $0xFFFFC000;
	s30 =	simm.s32 @!p3 $0x80;
	s31 =	simm.s32 @!p3 $0xDC00  }
0x2d: {  	[tilespmem:s31], [sflag:$0x4] =	stream.indirect.gather @!p3 [hbm4b:s1+s30], $0x80, s25, s30, $0xb8;
	[tilespmem:$0x1DC00] =	vst v63  }
0x2e: {  	s30 =	simm.s32 @!p2 $0x6  }
0x2f: {  	_ =	swait.ge @!p2 [sflag:s30], $0x4000  }
0x30: {  	[sflag:s30] =	ssyncset.done @!p2 $0x0  }
0x31: {  	s31 =	simm.s32 @!p2 $0x15C00;
	[sflag:s30] =	ssyncadd.s32 @!p2 $0xFFFFC000;
	s30 =	simm.s32 @!p2 $0x0  }
0x32: {  	[hbm4b:s26+s30] =	stream.linear.scatter @!p2 [tilespmem:s31], [sflag:$0xD], $0x4000, $0x38;
	[tilespmem:$0x1DC00] =	vst v63  }
0x33: {  	p2 =	por p1, !p0  }
0x34: {  	s30 =	simm.s32 @!p2 $0xC;
	p3 =	sgt.u32 @!p2 s28, $0x2C  }
0x35: {  	_ =	swait.ge @!p2 [sflag:s30], $0x4000;
	p1 =	por @p0 p3, p1  }
0x36: {  	[sflag:s30] =	ssyncset.done @!p2 $0x0;
	p1 =	por p1, !p0  }
0x37: {  	[sflag:s30] =	ssyncadd.s32 @!p2 $0xFFFFC000;
	s30 =	simm.s32 @!p1 $0x80;
	s31 =	simm.s32 @!p1 $0x11C00  }
0x38: {  	[tilespmem:s31], [sflag:$0x5] =	stream.indirect.gather @!p1 [hbm4b:s1+s30], $0x80, s25, s30, $0xb8;
	[tilespmem:$0x1DC00] =	vst v63  }
0x39: {  	s30 =	simm.s32 @!p2 $0x7  }
0x3a: {  	_ =	swait.ge @!p2 [sflag:s30], $0x4000  }
0x3b: {  	s31 =	simm.s32 @!p2 $0x19C00;
	[sflag:s30] =	ssyncset.done @!p2 $0x0  }
0x3c: {  	p1 =	seq.s32 @!p0 s29, $0x3;
	[sflag:s30] =	ssyncadd.s32 @!p2 $0xFFFFC000;
	s30 =	simm.s32 @!p2 $0x0  }
0x3d: {  	[hbm4b:s26+s30] =	stream.linear.scatter @!p2 [tilespmem:s31], [sflag:$0xE], $0x4000, $0x38;
	[tilespmem:$0x1DC00] =	vst v63  }
0x3e: {  	p2 =	por !p1, p0  }
0x3f: {  	s29 =	simm.s32 @!p2 $0x9;
	p3 =	sgt.u32 @!p2 s28, $0x2C  }
0x40: {  	_ =	swait.ge @!p2 [sflag:s29], $0x4000;
	p3 =	por @!p0 p3, !p1  }
0x41: {  	[sflag:s29] =	ssyncset.done @!p2 $0x0;
	p3 =	por p3, p0  }
0x42: {  	[sflag:s29] =	ssyncadd.s32 @!p2 $0xFFFFC000;
	s29 =	simm.s32 @!p3 $0x80;
	s30 =	simm.s32 @!p3 $0x5C00  }
0x43: {  	[tilespmem:s30], [sflag:$0x2] =	stream.indirect.gather @!p3 [hbm4b:s1+s29], $0x80, s25, s29, $0xb8;
	[tilespmem:$0x1DC00] =	vst v63  }
0x44: {  	s29 =	simm.s32 @!p2 $0x4  }
0x45: {  	_ =	swait.ge @!p2 [sflag:s29], $0x4000  }
0x46: {  	[sflag:s29] =	ssyncset.done @!p2 $0x0  }
0x47: {  	s30 =	simm.s32 @!p2 $0xDC00;
	[sflag:s29] =	ssyncadd.s32 @!p2 $0xFFFFC000;
	s29 =	simm.s32 @!p2 $0x0  }
0x48: {  	[hbm4b:s26+s29] =	stream.linear.scatter @!p2 [tilespmem:s30], [sflag:$0xB], $0x4000, $0x38;
	[tilespmem:$0x1DC00] =	vst v63  }
0x49: {  	p2 =	por p1, p0  }
0x4a: {  	s29 =	simm.s32 @!p2 $0xA;
	p3 =	sgt.u32 @!p2 s28, $0x2C  }
0x4b: {  	_ =	swait.ge @!p2 [sflag:s29], $0x4000;
	p1 =	por @!p0 p3, p1  }
0x4c: {  	[sflag:s29] =	ssyncset.done @!p2 $0x0;
	p0 =	por p1, p0  }
0x4d: {  	[sflag:s29] =	ssyncadd.s32 @!p2 $0xFFFFC000;
	s29 =	simm.s32 @!p0 $0x80;
	s30 =	simm.s32 @!p0 $0x9C00  }
0x4e: {  	[tilespmem:s30], [sflag:$0x3] =	stream.indirect.gather @!p0 [hbm4b:s1+s29], $0x80, s25, s29, $0xb8;
	[tilespmem:$0x1DC00] =	vst v63  }
0x4f: {  	s29 =	simm.s32 @!p2 $0x5  }
0x50: {  	_ =	swait.ge @!p2 [sflag:s29], $0x4000  }
0x51: {  	[sflag:s29] =	ssyncset.done @!p2 $0x0  }
0x52: {  	s30 =	simm.s32 @!p2 $0x11C00;
	[sflag:s29] =	ssyncadd.s32 @!p2 $0xFFFFC000;
	s29 =	simm.s32 @!p2 $0x0  }
0x53: {  	[hbm4b:s26+s29] =	stream.linear.scatter @!p2 [tilespmem:s30], [sflag:$0xC], $0x4000, $0x38;
	[tilespmem:$0x1DC00] =	vst v63  }
.LBB2_9:
0x54: {  	s28 =	sadd.s32 $0x1, s28  }
0x55: {  	p0 =	sne.s32 s28, $0x32  }
.Ltmp3:
0x56: {  	_ = 	snop;
	(pc) =	sbr.rel @!p0 .LBB2_10-.Ltmp3, $2  }
0x57: {  	_ =	sdelay $0x2  }
0x58: {  	s25 =	sadd.s32 $0x80, s25;
	s26 =	sadd.s32 $0x800, s26  }
.LBB2_2:
0x59: {  	s29 =	smul.u32 $0x25, s28;
	_ =	sdelay $0x1  }
0x5a: {  	s29 =	sshrl.u32 s29, $0x8  }
0x5b: {  	s30 =	ssub.s32 s28, s29  }
0x5c: {  	s30 =	sand.u32 $0xFE, s30  }
0x5d: {  	s30 =	sshrl.u32 s30, $0x1  }
0x5e: {  	s29 =	sadd.s32 s29, s30  }
0x5f: {  	s29 =	sand.u32 $0xFC, s29  }
0x60: {  	s29 =	sshrl.u32 s29, $0x2  }
0x61: {  	s29 =	smul.u32 $0x7, s29;
	_ =	sdelay $0x1  }
0x62: {  	s29 =	ssub.s32 s28, s29  }
0x63: {  	s29 =	sand.u32 $0xFF, s29  }
0x64: {  	p0 =	sgt.s32 s29, $0x2  }
.Ltmp4:
0x65: {  	_ = 	snop;
	(pc) =	sbr.rel @p0 .LBB2_6-.Ltmp4, $1  }
0x66: {  	_ =	sdelay $0x3  }
0x67: {  	p0 =	seq.s32 s29, $0x0  }
.Ltmp5:
0x68: {  	_ = 	snop;
	(pc) =	sbr.rel @p0 .LBB2_7-.Ltmp5, $1  }
0x69: {  	_ =	sdelay $0x3  }
0x6a: {  	p0 =	seq.s32 s29, $0x1  }
.Ltmp6:
0x6b: {  	_ = 	snop;
	(pc) =	sbr.rel @!p0 .LBB2_8-.Ltmp6, $1  }
0x6c: {  	_ =	sdelay $0x3  }
0x6d: {  	p0 =	slt.u32 s28, $0x2  }
0x6e: {  	s29 =	simm.s32 @!p0 $0xE  }
0x6f: {  	_ =	swait.ge @!p0 [sflag:s29], $0x4000  }
0x70: {  	p1 =	sgt.u32 @!p0 s28, $0x2C;
	[sflag:s29] =	ssyncset.done @!p0 $0x0  }
0x71: {  	p1 =	por p0, !p1;
	[sflag:s29] =	ssyncadd.s32 @!p0 $0xFFFFC000  }
0x72: {  	[tilespmem:s19], [sflag:$0x7] =	stream.indirect.gather @p1 [hbm4b:s1+s8], $0x80, s25, s8, $0xb8;
	[tilespmem:$0x1DC00] =	vst v63  }
.Ltmp7:
0x73: {  	_ = 	snop;
	(pc) =	sbr.rel .LBB2_9-.Ltmp7, $4  }
0x74: {  	_ =	swait.ge [sflag:s20], $0x4000  }
0x75: {  	[sflag:s20] =	ssyncset.done $0x0  }
0x76: {  	[sflag:s20] =	ssyncadd.s32 $0xFFFFC000  }
0x77: {  	[hbm4b:s26+s3] =	stream.linear.scatter [tilespmem:s10], [sflag:$0x9], $0x4000, $0x38;
	[tilespmem:$0x1DC00] =	vst v63  }
.LBB2_7:
0x78: {  	p0 =	slt.u32 s28, $0x2  }
0x79: {  	s29 =	simm.s32 @!p0 $0xD  }
0x7a: {  	_ =	swait.ge @!p0 [sflag:s29], $0x4000  }
0x7b: {  	p1 =	sgt.u32 @!p0 s28, $0x2C;
	[sflag:s29] =	ssyncset.done @!p0 $0x0  }
0x7c: {  	p1 =	por p0, !p1;
	[sflag:s29] =	ssyncadd.s32 @!p0 $0xFFFFC000  }
0x7d: {  	[tilespmem:s17], [sflag:$0x6] =	stream.indirect.gather @p1 [hbm4b:s1+s8], $0x80, s25, s8, $0xb8;
	[tilespmem:$0x1DC00] =	vst v63  }
.Ltmp8:
0x7e: {  	_ = 	snop;
	(pc) =	sbr.rel .LBB2_9-.Ltmp8, $4  }
0x7f: {  	_ =	swait.ge [sflag:s18], $0x4000  }
0x80: {  	[sflag:s18] =	ssyncset.done $0x0  }
0x81: {  	[sflag:s18] =	ssyncadd.s32 $0xFFFFC000  }
0x82: {  	[hbm4b:s26+s3] =	stream.linear.scatter [tilespmem:s9], [sflag:$0x8], $0x4000, $0x38;
	[tilespmem:$0x1DC00] =	vst v63  }
.LBB2_8:
0x83: {  	_ =	swait.ge [sflag:s21], $0x4000  }
0x84: {  	p0 =	sgt.u32 s28, $0x2C;
	[sflag:s21] =	ssyncset.done $0x0  }
0x85: {  	s29 =	simm.s32 @!p0 $0x80;
	s30 =	simm.s32 @!p0 $0x1C00;
	[sflag:s21] =	ssyncadd.s32 $0xFFFFC000  }
0x86: {  	[tilespmem:s30], [sflag:$0x1] =	stream.indirect.gather @!p0 [hbm4b:s1+s29], $0x80, s25, s29, $0xb8;
	[tilespmem:$0x1DC00] =	vst v63  }
.Ltmp9:
0x87: {  	_ = 	snop;
	(pc) =	sbr.rel .LBB2_9-.Ltmp9, $4  }
0x88: {  	_ =	swait.ge [sflag:s22], $0x4000  }
0x89: {  	[sflag:s22] =	ssyncset.done $0x0  }
0x8a: {  	[sflag:s22] =	ssyncadd.s32 $0xFFFFC000  }
0x8b: {  	[hbm4b:s26+s3] =	stream.linear.scatter [tilespmem:s12], [sflag:$0xA], $0x4000, $0x38;
	[tilespmem:$0x1DC00] =	vst v63  }
.LBB2_11:
0x8c: {  	_ =	sfence.sel $0x180000  }
0x8d: {  	[bflag:$0x0] =	sbarrier.arrive $0xFFFF  }
0x8e: {  	p0 =	sne.s32 s2, $0x0;
	_ =	strace $0x90000047  }
0x8f: {  	s0 =	sadd.s32 @!p0 $0x100000, s0;
	[bflag:$0x2] =	sbarrier.arrive $0xFFFF  }
0x90: {  	[sflag:s0] =	ssyncadd.tile.s32 @!p0 $0x1;
	_ =	shalt  }
.Lfunc_end2:
_tile_overlayer_lowered:
.L_overlay_start_2:
0x91: {  	(tag) =	ssettag $0x2  }
0x92: {  	s0 =	rddreg [dreg:$0x0];
	s2 =	stileid.u32  }
0x93: {  	s1 =	rddreg [dreg:$0x1];
	p0 =	sne.s32 s2, $0x0  }
0x94: {  	s3 =	rddreg [dreg:$0x2];
	[bflag:$0x3] =	sbarrier.arrive $0xFFFF;
	s2 =	simm.s32 @!p0 $0x1C0F  }
0x95: {  	[timem:s3], [sflag:s2] =	dma.local @!p0 [hbm:s0], s1  }
0x96: {  	s0 =	simm.s32 @!p0 $0xF  }
0x97: {  	_ =	swait.ge @!p0 [sflag:s0], s1  }
0x98: {  	s1 =	ssub.s32 @!p0 $0x0, s1;
	[sflag:s0] =	ssyncset.done @!p0 $0x0  }
0x99: {  	[sflag:s0] =	ssyncadd.s32 @!p0 s1  }
0x9a: {  	[bflag:$0x3] =	sbarrier.arrive $0xFFFF  }
0x9b: {  	_ =	shalt  }

</sc_bundles>
